<compile_context>
chip_gen: v7x
topology: tpu7x:2x2x1
jax: 0.10.2.dev20260603
libtpu: 0.0.44.dev20260713+nightly
codegen_flags: <defaults>
</compile_context>

<pallas_src>
import functools

import jax
import jax.numpy as jnp
from jax import lax
from jax.experimental import pallas as pl
from jax.experimental.pallas import tpu as pltpu
from jax.experimental.pallas import tpu_sc as plsc

N = 10000
E = 320000
NPAD = 10240
NAGG = 10112
EROWS = 2560
EPAD = EROWS * 128 - E
NC, NS = 2, 16
RPW = EROWS // (NC * NS)
RPT = EROWS // NS
ZR = NPAD // NS
ZRA = NAGG // NS

_MESH = dict(core_axis_name="c", subcore_axis_name="s", num_cores=NC,
             num_subcores=NS)


def _sc_degrees_spmem(srcdst_rows):

    @functools.partial(
        pl.kernel,
        out_type=jax.ShapeDtypeStruct((2, NPAD), jnp.float32),
        mesh=plsc.VectorSubcoreMesh(**_MESH),
        scratch_types=[
            pltpu.VMEM((RPT, 128), jnp.int32),
            pltpu.VMEM((128,), jnp.float32),
            pltpu.VMEM((ZR,), jnp.float32),
            pltpu.VMEM_SHARED((NPAD,), jnp.float32),
        ],
    )
    def deg_kernel(se_hbm, out_hbm, idx_v, ones_v, z_v, acc_sh):
        c = lax.axis_index("c")
        t = lax.axis_index("s")

        @pl.loop(0, 8)
        def _(q):
            ones_v[pl.ds(q * 16, 16)] = jnp.full((16,), 1.0, jnp.float32)

        @pl.loop(0, ZR // 16)
        def _(q):
            z_v[pl.ds(q * 16, 16)] = jnp.zeros((16,), jnp.float32)

        pltpu.sync_copy(z_v, acc_sh.at[pl.ds(t * ZR, ZR)])
        plsc.subcore_barrier()

        pltpu.sync_copy(se_hbm.at[pl.ds(c * EROWS + t * RPT, RPT)], idx_v)

        @pl.loop(0, RPT)
        def _(j):
            pltpu.sync_copy(ones_v, acc_sh.at[idx_v.at[j]], add=True)

        plsc.subcore_barrier()
        pltpu.sync_copy(acc_sh.at[pl.ds(t * ZR, ZR)],
                        out_hbm.at[c, pl.ds(t * ZR, ZR)])

    return deg_kernel(srcdst_rows)


def _sc_aggregate(table, src_rows, dst_rows):

    HALF = RPW // 2

    @functools.partial(
        pl.kernel,
        out_type=jax.ShapeDtypeStruct((NC, NAGG, 128), jnp.float32),
        mesh=plsc.VectorSubcoreMesh(**_MESH),
        scratch_types=[
            pltpu.VMEM((HALF + 8, 128), jnp.int32),
            pltpu.VMEM((HALF, 128), jnp.int32),
            pltpu.VMEM((128, 128), jnp.float32),
            pltpu.VMEM((128, 128), jnp.float32),
            pltpu.SemaphoreType.DMA,
            pltpu.SemaphoreType.DMA,
            pltpu.VMEM_SHARED((NAGG, 128), jnp.float32),
        ],
    )
    def agg_kernel(table_hbm, src_hbm, dst_hbm, out_hbm, idx_s, idx_d,
                   rows0, rows1, sem0, sem1, acc_sh):
        c = lax.axis_index("c")
        t = lax.axis_index("s")
        wid = c * NS + t

        @pl.loop(0, 128)
        def _(r):
            @pl.loop(0, 8)
            def _(q):
                rows0[r, pl.ds(q * 16, 16)] = jnp.zeros((16,), jnp.float32)

        for q in range(ZRA // 128):
            pltpu.sync_copy(rows0,
                            acc_sh.at[pl.ds(t * ZRA + q * 128, 128)])
        pltpu.sync_copy(rows0.at[pl.ds(0, ZRA % 128)],
                        acc_sh.at[pl.ds(t * ZRA + ZRA - ZRA % 128,
                                        ZRA % 128)])
        plsc.subcore_barrier()

        tbase = wid * RPW

        @pl.loop(0, RPW // HALF)
        def _(k):
            off = tbase + k * HALF
            pltpu.sync_copy(src_hbm.at[pl.ds(off, HALF)],
                            idx_s.at[pl.ds(0, HALF)])
            pltpu.sync_copy(src_hbm.at[pl.ds(off, 8)],
                            idx_s.at[pl.ds(HALF, 8)])
            pltpu.sync_copy(dst_hbm.at[pl.ds(off, HALF)], idx_d)

            pltpu.async_copy(table_hbm.at[idx_s.at[0]], rows0, sem0)

            @pl.loop(0, HALF // 2)
            def _(i):
                j0 = 2 * i
                pltpu.make_async_copy(table_hbm.at[idx_s.at[j0]], rows0,
                                      sem0).wait()
                pltpu.async_copy(table_hbm.at[idx_s.at[j0 + 1]], rows1, sem1)
                pltpu.sync_copy(rows0, acc_sh.at[idx_d.at[j0]], add=True)
                pltpu.make_async_copy(table_hbm.at[idx_s.at[j0 + 1]], rows1,
                                      sem1).wait()
                pltpu.async_copy(table_hbm.at[idx_s.at[j0 + 2]], rows0, sem0)
                pltpu.sync_copy(rows1, acc_sh.at[idx_d.at[j0 + 1]], add=True)

            pltpu.make_async_copy(table_hbm.at[idx_s.at[HALF]], rows0,
                                  sem0).wait()

        plsc.subcore_barrier()
        pltpu.sync_copy(acc_sh.at[pl.ds(t * ZRA, ZRA)],
                        out_hbm.at[c, pl.ds(t * ZRA, ZRA)])

    return agg_kernel(table, src_rows, dst_rows)


_BR = 1000
_DOT = dict(preferred_element_type=jnp.float32)


def _tc_front(f1, f2, f3, f4, f5, W1, W2, W3, W4, W5, b1, b2, b3, b4, b5,
              w1, w2, w3, w4, w5):

    def body(f1r, f2r, f3r, f4r, f5r, W1r, W2r, W3r, W4r, W5r,
             b1r, b2r, b3r, b4r, b5r, wr, out):
        w = wr[0]
        h = (jnp.dot(f1r[...], W1r[...], **_DOT) + b1r[...]) * w[0]
        h += (jnp.dot(f2r[...], W2r[...], **_DOT) + b2r[...]) * w[1]
        h += (jnp.dot(f3r[...], W3r[...], **_DOT) + b3r[...]) * w[2]
        h += (jnp.dot(f4r[...], W4r[...], **_DOT) + b4r[...]) * w[3]
        h += (jnp.dot(f5r[...], W5r[...], **_DOT) + b5r[...]) * w[4]
        out[...] = h

    full = lambda a: pl.BlockSpec(a.shape, lambda i: (0,) * a.ndim)
    row = lambda a: pl.BlockSpec((_BR, a.shape[1]), lambda i: (i, 0))
    wvec = jnp.stack([w1[0], w2[0], w3[0], w4[0], w5[0]]).reshape(1, 5)
    bs = [b.reshape(1, 128) for b in (b1, b2, b3, b4, b5)]
    return pl.pallas_call(
        body,
        grid=(N // _BR,),
        in_specs=[row(f1), row(f2), row(f3), row(f4), row(f5),
                  full(W1), full(W2), full(W3), full(W4), full(W5),
                  full(bs[0]), full(bs[1]), full(bs[2]), full(bs[3]),
                  full(bs[4]), full(wvec)],
        out_specs=pl.BlockSpec((_BR, 128), lambda i: (i, 0)),
        out_shape=jax.ShapeDtypeStruct((N, 128), jnp.float32),
    )(f1, f2, f3, f4, f5, W1, W2, W3, W4, W5, *bs, wvec)


def _rs(deg_block):
    return lax.rsqrt(jnp.maximum(deg_block, 1.0))


def _tc_g1(h, od, Wg1):

    def body(hr, dr, Wr, out):
        out[...] = jnp.dot(hr[...] * _rs(dr[...]), Wr[...], **_DOT)

    return pl.pallas_call(
        body,
        grid=(N // _BR,),
        in_specs=[pl.BlockSpec((_BR, 128), lambda i: (i, 0)),
                  pl.BlockSpec((_BR, 1), lambda i: (i, 0)),
                  pl.BlockSpec((128, 128), lambda i: (0, 0))],
        out_specs=pl.BlockSpec((_BR, 128), lambda i: (i, 0)),
        out_shape=jax.ShapeDtypeStruct((N, 128), jnp.float32),
    )(h, od, Wg1)


def _tc_mid(agg, id_, od, bg1, Wg2):

    def body(a0, a1, dr_in, dr_out, br, Wr, out):
        s = (a0[0] + a1[0]) * _rs(dr_in[...]) + br[...]
        h2 = jnp.maximum(s, 0.0)
        out[...] = jnp.dot(h2 * _rs(dr_out[...]), Wr[...], **_DOT)

    return pl.pallas_call(
        body,
        grid=(N // _BR,),
        in_specs=[pl.BlockSpec((1, _BR, 128), lambda i: (0, i, 0)),
                  pl.BlockSpec((1, _BR, 128), lambda i: (1, i, 0)),
                  pl.BlockSpec((_BR, 1), lambda i: (i, 0)),
                  pl.BlockSpec((_BR, 1), lambda i: (i, 0)),
                  pl.BlockSpec((1, 128), lambda i: (0, 0)),
                  pl.BlockSpec((128, 128), lambda i: (0, 0))],
        out_specs=pl.BlockSpec((_BR, 128), lambda i: (i, 0)),
        out_shape=jax.ShapeDtypeStruct((N, 128), jnp.float32),
    )(agg, agg, id_, od, bg1.reshape(1, 128), Wg2)


def _tc_tail(agg, id_, bg2, Wb1, bb1, Wb2, bb2):

    def body(a0, a1, dr_in, br, W1r, b1r, W2r, b2r, out):
        s = (a0[0] + a1[0]) * _rs(dr_in[...]) + br[...]
        tm = jnp.dot(s, W1r[...], **_DOT) + b1r[...]
        out[...] = jnp.dot(tm, W2r[...], **_DOT) + b2r[0, 0]

    return pl.pallas_call(
        body,
        grid=(N // _BR,),
        in_specs=[pl.BlockSpec((1, _BR, 128), lambda i: (0, i, 0)),
                  pl.BlockSpec((1, _BR, 128), lambda i: (1, i, 0)),
                  pl.BlockSpec((_BR, 1), lambda i: (i, 0)),
                  pl.BlockSpec((1, 128), lambda i: (0, 0)),
                  pl.BlockSpec((128, 64), lambda i: (0, 0)),
                  pl.BlockSpec((1, 64), lambda i: (0, 0)),
                  pl.BlockSpec((64, 1), lambda i: (0, 0)),
                  pl.BlockSpec((1, 1), lambda i: (0, 0))],
        out_specs=pl.BlockSpec((_BR, 1), lambda i: (i, 0)),
        out_shape=jax.ShapeDtypeStruct((N, 1), jnp.float32),
    )(agg, agg, id_, bg2.reshape(1, 128), Wb1, bb1.reshape(1, 64),
      Wb2, bb2.reshape(1, 1))


def kernel(features1, features2, features3, features4, features5, edge_index,
           Wf1, bf1, Wf2, bf2, Wf3, bf3, Wf4, bf4, Wf5, bf5,
           w1, w2, w3, w4, w5, Wg1, bg1, Wg2, bg2, Wb1, bb1, Wb2, bb2):
    src, dst = edge_index[0], edge_index[1]
    trash = jnp.full((EPAD,), N, jnp.int32)
    src_agg = jnp.concatenate([src, jnp.zeros((EPAD,), jnp.int32)]
                              ).reshape(EROWS, 128)
    dst_rows = jnp.concatenate([dst, trash]).reshape(EROWS, 128)
    srcdst = jnp.concatenate(
        [jnp.concatenate([src, trash]).reshape(EROWS, 128), dst_rows])

    degs = _sc_degrees_spmem(srcdst)
    od, id_ = degs[0][:, None], degs[1][:, None]

    h = _tc_front(features1, features2, features3, features4, features5,
                  Wf1, Wf2, Wf3, Wf4, Wf5, bf1, bf2, bf3, bf4, bf5,
                  w1, w2, w3, w4, w5)
    z1 = _tc_g1(h, od, Wg1)
    agg1 = _sc_aggregate(z1, src_agg, dst_rows)
    z2 = _tc_mid(agg1, id_, od, bg1, Wg2)
    agg2 = _sc_aggregate(z2, src_agg, dst_rows)
    return _tc_tail(agg2, id_, bg2, Wb1, bb1, Wb2, bb2).reshape(-1)

# --- scband reference (transcript-rebuilt; emitter-appended) ---
"""Pipeline reference for scband-nmr-gcn-56298431316342 (READ-ONLY COPY).

The authoritative reference and input builder live on the scoring server;
editing this copy changes nothing except your own understanding.
"""

import jax, jax.numpy as jnp
import numpy as np

N = 10000
E = 320000
HID = 128


def _gconv(h, src, dst, W, b, act):
    ones = jnp.ones((src.shape[0],), jnp.float32)
    out_deg = jnp.clip(jax.ops.segment_sum(ones, src, num_segments=N), 1.0)
    in_deg = jnp.clip(jax.ops.segment_sum(ones, dst, num_segments=N), 1.0)
    h = h * (out_deg ** -0.5)[:, None]
    h = h @ W
    agg = jax.ops.segment_sum(h[src], dst, num_segments=N)
    agg = agg * (in_deg ** -0.5)[:, None] + b
    if act:
        agg = jax.nn.relu(agg)
    return agg


def setup_inputs(seed: int = 0):
    key = jax.random.key(seed)
    ks = jax.random.split(key, 32)
    d = {}
    d["features1"] = jax.random.normal(ks[0], (N, 256), jnp.float32)
    d["features2"] = jax.random.normal(ks[1], (N, 128), jnp.float32)
    d["features3"] = jax.random.normal(ks[2], (N, 512), jnp.float32)
    d["features4"] = jax.random.normal(ks[3], (N, 256), jnp.float32)
    d["features5"] = jax.random.normal(ks[4], (N, 128), jnp.float32)
    d["edge_index"] = jax.random.randint(ks[5], (2, E), 0, N, dtype=jnp.int32)

    def lin(k, i, o):
        k1, k2 = jax.random.split(k)
        return (jax.random.normal(k1, (i, o), jnp.float32) * (1.0 / np.sqrt(i)),
                jax.random.normal(k2, (o,), jnp.float32) * 0.01)

    d["Wf1"], d["bf1"] = lin(ks[6], 256, HID)
    d["Wf2"], d["bf2"] = lin(ks[7], 128, HID)
    d["Wf3"], d["bf3"] = lin(ks[8], 512, HID)
    d["Wf4"], d["bf4"] = lin(ks[9], 256, HID)
    d["Wf5"], d["bf5"] = lin(ks[10], 128, HID)
    for i, n in enumerate(["w1", "w2", "w3", "w4", "w5"]):
        d[n] = jax.random.normal(ks[11 + i], (1,), jnp.float32)
    d["Wg1"], d["bg1"] = lin(ks[16], HID, 128)
    d["Wg2"], d["bg2"] = lin(ks[17], 128, 128)
    d["Wb1"], d["bb1"] = lin(ks[18], 128, 64)
    d["Wb2"], d["bb2"] = lin(ks[19], 64, 1)
    return d


def reference(features1, features2, features3, features4, features5, edge_index,
              Wf1, bf1, Wf2, bf2, Wf3, bf3, Wf4, bf4, Wf5, bf5,
              w1, w2, w3, w4, w5,
              Wg1, bg1, Wg2, bg2, Wb1, bb1, Wb2, bb2):
    src, dst = edge_index[0], edge_index[1]
    h1 = features1 @ Wf1 + bf1
    h2 = features2 @ Wf2 + bf2
    h3 = features3 @ Wf3 + bf3
    h4 = features4 @ Wf4 + bf4
    h5 = features5 @ Wf5 + bf5
    h = h1 * w1 + h2 * w2 + h3 * w3 + h4 * w4 + h5 * w5
    h = _gconv(h, src, dst, Wg1, bg1, True)
    # dropout(p=0.5) is identity in eval mode
    h = _gconv(h, src, dst, Wg2, bg2, False)
    h = h @ Wb1 + bb1
    h = h @ Wb2 + bb2
    return h.reshape(-1)

if __name__ == "__main__":
    import jax
    _d = setup_inputs()
    print(jax.jit(kernel)(*tuple(_d.values())))

</pallas_src>

<mosaic_0001>
#map = affine_map<(d0, d1) -> (0, 0)>
module attributes {stable_mosaic.version = 14 : i64} {
  func.func @deg_kernel(%arg0: i32, %arg1: i32, %arg2: memref<5120x128xi32, #tpu.memory_space<hbm>>, %arg3: memref<2x10240xf32, #tpu.memory_space<hbm>>, %arg4: memref<160x128xi32, #tpu.memory_space<vmem>>, %arg5: memref<128xf32, #tpu.memory_space<vmem>>, %arg6: memref<640xf32, #tpu.memory_space<vmem>>, %arg7: memref<10240xf32, #tpu.memory_space<vmem_shared>>) attributes {dimension_semantics = [#tpu.dimension_semantics<core_parallel>, #tpu.dimension_semantics<subcore_parallel>], iteration_bounds = array<i64: 2, 16>, scalar_prefetch = 0 : i64, scratch_operands = 4 : i64, tpu.core_type = #tpu.core_type<sc_vector_subcore>, window_params = [{transform_indices = #map}, {transform_indices = #map}]} {
    %scan3A = arith.constant 0 : i32
    %scan3A_0 = arith.constant 8 : i32
    %scan3A_1 = arith.addi %scan3A, %scan3A_0 : i32
    %scan3A_2 = arith.constant 1 : i32
    scf.for %scan3A_24 = %scan3A to %scan3A_1 step %scan3A_2  : i32 {
      %mul3A_25 = arith.constant 1 : i32
      %mul3A_26 = arith.muli %scan3A_24, %mul3A_25 : i32
      %add3A_27 = arith.constant 0 : i32
      %add3A_28 = arith.addi %add3A_27, %mul3A_26 : i32
      %broadcast_in_dim3A = arith.constant 1.000000e+00 : f32
      %broadcast_in_dim3A_29 = vector.broadcast %broadcast_in_dim3A : f32 to vector<16xf32>
      %mul3A_30 = arith.constant 16 : i32
      %mul3A_31 = arith.muli %add3A_28, %mul3A_30 : i32
      %swap3A = arith.index_cast %mul3A_31 : i32 to index
      %swap3A_32 = tpu.vector_load %arg5[%swap3A] {strides = array<i32>} : memref<128xf32, #tpu.memory_space<vmem>>, vector<16xf32>,
      %swap3A_33 = vector.shape_cast %swap3A_32 : vector<16xf32> to vector<16xf32>
      %swap3A_34 = vector.shape_cast %broadcast_in_dim3A_29 : vector<16xf32> to vector<16xf32>
      tpu.vector_store %arg5[%swap3A], %swap3A_34 {strides = array<i32>} : memref<128xf32, #tpu.memory_space<vmem>>, vector<16xf32>,
    }
    %scan3A_3 = arith.constant 8 : i32
    %scan3A_4 = arith.constant 0 : i32
    %scan3A_5 = arith.constant 40 : i32
    %scan3A_6 = arith.addi %scan3A_4, %scan3A_5 : i32
    %scan3A_7 = arith.constant 1 : i32
    scf.for %scan3A_24 = %scan3A_4 to %scan3A_6 step %scan3A_7  : i32 {
      %mul3A_25 = arith.constant 1 : i32
      %mul3A_26 = arith.muli %scan3A_24, %mul3A_25 : i32
      %add3A_27 = arith.constant 0 : i32
      %add3A_28 = arith.addi %add3A_27, %mul3A_26 : i32
      %broadcast_in_dim3A = arith.constant 0.000000e+00 : f32
      %broadcast_in_dim3A_29 = vector.broadcast %broadcast_in_dim3A : f32 to vector<16xf32>
      %mul3A_30 = arith.constant 16 : i32
      %mul3A_31 = arith.muli %add3A_28, %mul3A_30 : i32
      %swap3A = arith.index_cast %mul3A_31 : i32 to index
      %swap3A_32 = tpu.vector_load %arg6[%swap3A] {strides = array<i32>} : memref<640xf32, #tpu.memory_space<vmem>>, vector<16xf32>,
      %swap3A_33 = vector.shape_cast %swap3A_32 : vector<16xf32> to vector<16xf32>
      %swap3A_34 = vector.shape_cast %broadcast_in_dim3A_29 : vector<16xf32> to vector<16xf32>
      tpu.vector_store %arg6[%swap3A], %swap3A_34 {strides = array<i32>} : memref<640xf32, #tpu.memory_space<vmem>>, vector<16xf32>,
    }
    %scan3A_8 = arith.constant 40 : i32
    %mul3A = arith.constant 640 : i32
    %mul3A_9 = arith.muli %arg1, %mul3A : i32
    "tpu.region"() ({
      %run_scoped3A = tpu.sem_alloc : memref<!tpu.dma_semaphore, #tpu.memory_space<semaphore_mem>>
      %dma_start3A = tpu.memref_slice %arg7[%mul3A_9] : memref<10240xf32, #tpu.memory_space<vmem_shared>> -> memref<640xf32, #tpu.memory_space<vmem_shared>>
      %dma_start3A_24 = tpu.memref_slice %arg7[%mul3A_9] : memref<10240xf32, #tpu.memory_space<vmem_shared>> -> memref<640xf32, #tpu.memory_space<vmem_shared>>
      tpu.enqueue_dma source(%arg6 : memref<640xf32, #tpu.memory_space<vmem>>) target(%dma_start3A_24 : memref<640xf32, #tpu.memory_space<vmem_shared>>) target_semaphore(%run_scoped3A : memref<!tpu.dma_semaphore, #tpu.memory_space<semaphore_mem>>)
      %dma_wait3A = tpu.memref_slice %arg7[%mul3A_9] : memref<10240xf32, #tpu.memory_space<vmem_shared>> -> memref<640xf32, #tpu.memory_space<vmem_shared>>
      %dma_wait3A_25 = tpu.memref_slice %arg7[%mul3A_9] : memref<10240xf32, #tpu.memory_space<vmem_shared>> -> memref<640xf32, #tpu.memory_space<vmem_shared>>
      tpu.wait_dma2 semaphore(%run_scoped3A : memref<!tpu.dma_semaphore, #tpu.memory_space<semaphore_mem>>) src(%arg6 : memref<640xf32, #tpu.memory_space<vmem>>) dst(%dma_wait3A_25 : memref<640xf32, #tpu.memory_space<vmem_shared>>)
      tpu.yield
    }) : () -> ()
    %barrier3A = arith.constant 0 : index
    tpu.barrier barrier_id(%barrier3A)
    %mul3A_10 = arith.constant 2560 : i32
    %mul3A_11 = arith.muli %arg0, %mul3A_10 : i32
    %mul3A_12 = arith.constant 160 : i32
    %mul3A_13 = arith.muli %arg1, %mul3A_12 : i32
    %add3A = arith.addi %mul3A_11, %mul3A_13 : i32
    "tpu.region"() ({
      %run_scoped3A = tpu.sem_alloc : memref<!tpu.dma_semaphore, #tpu.memory_space<semaphore_mem>>
      %dma_start3A = arith.constant 0 : i32
      %dma_start3A_24 = tpu.memref_slice %arg2[%add3A, %dma_start3A] : memref<5120x128xi32, #tpu.memory_space<hbm>> -> memref<160x128xi32, #tpu.memory_space<hbm>>
      %dma_start3A_25 = arith.constant 0 : i32
      %dma_start3A_26 = tpu.memref_slice %arg2[%add3A, %dma_start3A_25] : memref<5120x128xi32, #tpu.memory_space<hbm>> -> memref<160x128xi32, #tpu.memory_space<hbm>>
      tpu.enqueue_dma source(%dma_start3A_26 : memref<160x128xi32, #tpu.memory_space<hbm>>) target(%arg4 : memref<160x128xi32, #tpu.memory_space<vmem>>) target_semaphore(%run_scoped3A : memref<!tpu.dma_semaphore, #tpu.memory_space<semaphore_mem>>)
      %dma_wait3A = arith.constant 0 : i32
      %dma_wait3A_27 = tpu.memref_slice %arg2[%add3A, %dma_wait3A] : memref<5120x128xi32, #tpu.memory_space<hbm>> -> memref<160x128xi32, #tpu.memory_space<hbm>>
      %dma_wait3A_28 = arith.constant 0 : i32
      %dma_wait3A_29 = tpu.memref_slice %arg2[%add3A, %dma_wait3A_28] : memref<5120x128xi32, #tpu.memory_space<hbm>> -> memref<160x128xi32, #tpu.memory_space<hbm>>
      tpu.wait_dma2 semaphore(%run_scoped3A : memref<!tpu.dma_semaphore, #tpu.memory_space<semaphore_mem>>) src(%dma_wait3A_29 : memref<160x128xi32, #tpu.memory_space<hbm>>) dst(%arg4 : memref<160x128xi32, #tpu.memory_space<vmem>>)
      tpu.yield
    }) : () -> ()
    %scan3A_14 = arith.constant 0 : i32
    %scan3A_15 = arith.constant 160 : i32
    %scan3A_16 = arith.addi %scan3A_14, %scan3A_15 : i32
    %scan3A_17 = arith.constant 1 : i32
    scf.for %scan3A_24 = %scan3A_14 to %scan3A_16 step %scan3A_17  : i32 {
      %mul3A_25 = arith.constant 1 : i32
      %mul3A_26 = arith.muli %scan3A_24, %mul3A_25 : i32
      %add3A_27 = arith.constant 0 : i32
      %add3A_28 = arith.addi %add3A_27, %mul3A_26 : i32
      "tpu.region"() ({
        %run_scoped3A = tpu.sem_alloc : memref<!tpu.dma_semaphore, #tpu.memory_space<semaphore_mem>>
        %dma_start3A = arith.constant 0 : i32
        %dma_start3A_29 = tpu.memref_slice %arg4[%add3A_28, %dma_start3A] : memref<160x128xi32, #tpu.memory_space<vmem>> -> memref<1x128xi32, #tpu.memory_space<vmem>>
        %dma_start3A_30 = tpu.memref_squeeze %dma_start3A_29 : memref<1x128xi32, #tpu.memory_space<vmem>> -> memref<128xi32, #tpu.memory_space<vmem>>
        %dma_start3A_31 = arith.constant 0 : i32
        %dma_start3A_32 = tpu.memref_slice %arg7[%dma_start3A_31] : memref<10240xf32, #tpu.memory_space<vmem_shared>> -> memref<10240xf32, #tpu.memory_space<vmem_shared>>
        tpu.enqueue_indirect_dma source(%arg5 : memref<128xf32, #tpu.memory_space<vmem>>) target(%dma_start3A_32 : memref<10240xf32, #tpu.memory_space<vmem_shared>>) offsets(%dma_start3A_30 : memref<128xi32, #tpu.memory_space<vmem>>) semaphore(%run_scoped3A : memref<!tpu.dma_semaphore, #tpu.memory_space<semaphore_mem>>) {add = true}
        %dma_wait3A = arith.constant 0 : i32
        %dma_wait3A_33 = tpu.memref_slice %arg4[%add3A_28, %dma_wait3A] : memref<160x128xi32, #tpu.memory_space<vmem>> -> memref<1x128xi32, #tpu.memory_space<vmem>>
        %dma_wait3A_34 = tpu.memref_squeeze %dma_wait3A_33 : memref<1x128xi32, #tpu.memory_space<vmem>> -> memref<128xi32, #tpu.memory_space<vmem>>
        %dma_wait3A_35 = arith.constant 0 : i32
        %dma_wait3A_36 = tpu.memref_slice %arg7[%dma_wait3A_35] : memref<10240xf32, #tpu.memory_space<vmem_shared>> -> memref<10240xf32, #tpu.memory_space<vmem_shared>>
        tpu.wait_indirect_dma semaphore(%run_scoped3A : memref<!tpu.dma_semaphore, #tpu.memory_space<semaphore_mem>>) src(%arg5 : memref<128xf32, #tpu.memory_space<vmem>>) dst(%dma_wait3A_36 : memref<10240xf32, #tpu.memory_space<vmem_shared>>)
        tpu.yield
      }) : () -> ()
    }
    %scan3A_18 = arith.constant 160 : i32
    %barrier3A_19 = arith.constant 0 : index
    tpu.barrier barrier_id(%barrier3A_19)
    %mul3A_20 = arith.constant 640 : i32
    %mul3A_21 = arith.muli %arg1, %mul3A_20 : i32
    %mul3A_22 = arith.constant 640 : i32
    %mul3A_23 = arith.muli %arg1, %mul3A_22 : i32
    "tpu.region"() ({
      %run_scoped3A = tpu.sem_alloc : memref<!tpu.dma_semaphore, #tpu.memory_space<semaphore_mem>>
      %dma_start3A = tpu.memref_slice %arg3[%arg0, %mul3A_23] : memref<2x10240xf32, #tpu.memory_space<hbm>> -> memref<1x640xf32, #tpu.memory_space<hbm>>
      %dma_start3A_24 = tpu.memref_squeeze %dma_start3A : memref<1x640xf32, #tpu.memory_space<hbm>> -> memref<640xf32, #tpu.memory_space<hbm>>
      %dma_start3A_25 = tpu.memref_slice %arg7[%mul3A_21] : memref<10240xf32, #tpu.memory_space<vmem_shared>> -> memref<640xf32, #tpu.memory_space<vmem_shared>>
      tpu.enqueue_dma source(%dma_start3A_25 : memref<640xf32, #tpu.memory_space<vmem_shared>>) target(%dma_start3A_24 : memref<640xf32, #tpu.memory_space<hbm>>) target_semaphore(%run_scoped3A : memref<!tpu.dma_semaphore, #tpu.memory_space<semaphore_mem>>)
      %dma_wait3A = tpu.memref_slice %arg3[%arg0, %mul3A_23] : memref<2x10240xf32, #tpu.memory_space<hbm>> -> memref<1x640xf32, #tpu.memory_space<hbm>>
      %dma_wait3A_26 = tpu.memref_squeeze %dma_wait3A : memref<1x640xf32, #tpu.memory_space<hbm>> -> memref<640xf32, #tpu.memory_space<hbm>>
      %dma_wait3A_27 = tpu.memref_slice %arg7[%mul3A_21] : memref<10240xf32, #tpu.memory_space<vmem_shared>> -> memref<640xf32, #tpu.memory_space<vmem_shared>>
      tpu.wait_dma2 semaphore(%run_scoped3A : memref<!tpu.dma_semaphore, #tpu.memory_space<semaphore_mem>>) src(%dma_wait3A_27 : memref<640xf32, #tpu.memory_space<vmem_shared>>) dst(%dma_wait3A_26 : memref<640xf32, #tpu.memory_space<hbm>>)
      tpu.yield
    }) : () -> ()
    return
  }
}

#map = affine_map<(d0, d1) -> (0, 0)>
#map1 = affine_map<(d0, d1) -> (0, 0, 0)>
module attributes {stable_mosaic.version = 14 : i64} {
  func.func @agg_kernel(%arg0: i32, %arg1: i32, %arg2: memref<10000x128xf32, #tpu.memory_space<hbm>>, %arg3: memref<2560x128xi32, #tpu.memory_space<hbm>>, %arg4: memref<2560x128xi32, #tpu.memory_space<hbm>>, %arg5: memref<2x10112x128xf32, #tpu.memory_space<hbm>>, %arg6: memref<48x128xi32, #tpu.memory_space<vmem>>, %arg7: memref<40x128xi32, #tpu.memory_space<vmem>>, %arg8: memref<128x128xf32, #tpu.memory_space<vmem>>, %arg9: memref<128x128xf32, #tpu.memory_space<vmem>>, %arg10: memref<!tpu.dma_semaphore, #tpu.memory_space<semaphore_mem>>, %arg11: memref<!tpu.dma_semaphore, #tpu.memory_space<semaphore_mem>>, %arg12: memref<10112x128xf32, #tpu.memory_space<vmem_shared>>) attributes {dimension_semantics = [#tpu.dimension_semantics<core_parallel>, #tpu.dimension_semantics<subcore_parallel>], iteration_bounds = array<i64: 2, 16>, scalar_prefetch = 0 : i64, scratch_operands = 7 : i64, tpu.core_type = #tpu.core_type<sc_vector_subcore>, window_params = [{transform_indices = #map}, {transform_indices = #map}, {transform_indices = #map}, {transform_indices = #map1}]} {
    %mul3A = arith.constant 16 : i32
    %mul3A_0 = arith.muli %arg0, %mul3A : i32
    %add3A = arith.addi %mul3A_0, %arg1 : i32
    %scan3A = arith.constant 0 : i32
    %scan3A_1 = arith.constant 128 : i32
    %scan3A_2 = arith.addi %scan3A, %scan3A_1 : i32
    %scan3A_3 = arith.constant 1 : i32
    scf.for %scan3A_38 = %scan3A to %scan3A_2 step %scan3A_3  : i32 {
      %mul3A_39 = arith.constant 1 : i32
      %mul3A_40 = arith.muli %scan3A_38, %mul3A_39 : i32
      %add3A_41 = arith.constant 0 : i32
      %add3A_42 = arith.addi %add3A_41, %mul3A_40 : i32
      %scan3A_43 = arith.constant 0 : i32
      %scan3A_44 = arith.constant 8 : i32
      %scan3A_45 = arith.addi %scan3A_43, %scan3A_44 : i32
      %scan3A_46 = arith.constant 1 : i32
      scf.for %scan3A_48 = %scan3A_43 to %scan3A_45 step %scan3A_46  : i32 {
        %mul3A_49 = arith.constant 1 : i32
        %mul3A_50 = arith.muli %scan3A_48, %mul3A_49 : i32
        %add3A_51 = arith.constant 0 : i32
        %add3A_52 = arith.addi %add3A_51, %mul3A_50 : i32
        %broadcast_in_dim3A = arith.constant 0.000000e+00 : f32
        %broadcast_in_dim3A_53 = vector.broadcast %broadcast_in_dim3A : f32 to vector<16xf32>
        %mul3A_54 = arith.constant 16 : i32
        %mul3A_55 = arith.muli %add3A_52, %mul3A_54 : i32
        %swap3A = arith.index_cast %add3A_42 : i32 to index
        %swap3A_56 = arith.index_cast %mul3A_55 : i32 to index
        %swap3A_57 = tpu.vector_load %arg8[%swap3A, %swap3A_56] {strides = array<i32>} : memref<128x128xf32, #tpu.memory_space<vmem>>, vector<1x16xf32>,
        %swap3A_58 = vector.shape_cast %swap3A_57 : vector<1x16xf32> to vector<16xf32>
        %swap3A_59 = vector.shape_cast %broadcast_in_dim3A_53 : vector<16xf32> to vector<1x16xf32>
        tpu.vector_store %arg8[%swap3A, %swap3A_56], %swap3A_59 {strides = array<i32>} : memref<128x128xf32, #tpu.memory_space<vmem>>, vector<1x16xf32>,
      }
      %scan3A_47 = arith.constant 8 : i32
    }
    %scan3A_4 = arith.constant 128 : i32
    %mul3A_5 = arith.constant 632 : i32
    %mul3A_6 = arith.muli %arg1, %mul3A_5 : i32
    %add3A_7 = arith.constant 0 : i32
    %add3A_8 = arith.addi %mul3A_6, %add3A_7 : i32
    "tpu.region"() ({
      %run_scoped3A = tpu.sem_alloc : memref<!tpu.dma_semaphore, #tpu.memory_space<semaphore_mem>>
      %dma_start3A = arith.constant 0 : i32
      %dma_start3A_38 = tpu.memref_slice %arg12[%add3A_8, %dma_start3A] : memref<10112x128xf32, #tpu.memory_space<vmem_shared>> -> memref<128x128xf32, #tpu.memory_space<vmem_shared>>
      %dma_start3A_39 = arith.constant 0 : i32
      %dma_start3A_40 = tpu.memref_slice %arg12[%add3A_8, %dma_start3A_39] : memref<10112x128xf32, #tpu.memory_space<vmem_shared>> -> memref<128x128xf32, #tpu.memory_space<vmem_shared>>
      tpu.enqueue_dma source(%arg8 : memref<128x128xf32, #tpu.memory_space<vmem>>) target(%dma_start3A_40 : memref<128x128xf32, #tpu.memory_space<vmem_shared>>) target_semaphore(%run_scoped3A : memref<!tpu.dma_semaphore, #tpu.memory_space<semaphore_mem>>)
      %dma_wait3A = arith.constant 0 : i32
      %dma_wait3A_41 = tpu.memref_slice %arg12[%add3A_8, %dma_wait3A] : memref<10112x128xf32, #tpu.memory_space<vmem_shared>> -> memref<128x128xf32, #tpu.memory_space<vmem_shared>>
      %dma_wait3A_42 = arith.constant 0 : i32
      %dma_wait3A_43 = tpu.memref_slice %arg12[%add3A_8, %dma_wait3A_42] : memref<10112x128xf32, #tpu.memory_space<vmem_shared>> -> memref<128x128xf32, #tpu.memory_space<vmem_shared>>
      tpu.wait_dma2 semaphore(%run_scoped3A : memref<!tpu.dma_semaphore, #tpu.memory_space<semaphore_mem>>) src(%arg8 : memref<128x128xf32, #tpu.memory_space<vmem>>) dst(%dma_wait3A_43 : memref<128x128xf32, #tpu.memory_space<vmem_shared>>)
      tpu.yield
    }) : () -> ()
    %mul3A_9 = arith.constant 632 : i32
    %mul3A_10 = arith.muli %arg1, %mul3A_9 : i32
    %add3A_11 = arith.constant 128 : i32
    %add3A_12 = arith.addi %mul3A_10, %add3A_11 : i32
    "tpu.region"() ({
      %run_scoped3A = tpu.sem_alloc : memref<!tpu.dma_semaphore, #tpu.memory_space<semaphore_mem>>
      %dma_start3A = arith.constant 0 : i32
      %dma_start3A_38 = tpu.memref_slice %arg12[%add3A_12, %dma_start3A] : memref<10112x128xf32, #tpu.memory_space<vmem_shared>> -> memref<128x128xf32, #tpu.memory_space<vmem_shared>>
      %dma_start3A_39 = arith.constant 0 : i32
      %dma_start3A_40 = tpu.memref_slice %arg12[%add3A_12, %dma_start3A_39] : memref<10112x128xf32, #tpu.memory_space<vmem_shared>> -> memref<128x128xf32, #tpu.memory_space<vmem_shared>>
      tpu.enqueue_dma source(%arg8 : memref<128x128xf32, #tpu.memory_space<vmem>>) target(%dma_start3A_40 : memref<128x128xf32, #tpu.memory_space<vmem_shared>>) target_semaphore(%run_scoped3A : memref<!tpu.dma_semaphore, #tpu.memory_space<semaphore_mem>>)
      %dma_wait3A = arith.constant 0 : i32
      %dma_wait3A_41 = tpu.memref_slice %arg12[%add3A_12, %dma_wait3A] : memref<10112x128xf32, #tpu.memory_space<vmem_shared>> -> memref<128x128xf32, #tpu.memory_space<vmem_shared>>
      %dma_wait3A_42 = arith.constant 0 : i32
      %dma_wait3A_43 = tpu.memref_slice %arg12[%add3A_12, %dma_wait3A_42] : memref<10112x128xf32, #tpu.memory_space<vmem_shared>> -> memref<128x128xf32, #tpu.memory_space<vmem_shared>>
      tpu.wait_dma2 semaphore(%run_scoped3A : memref<!tpu.dma_semaphore, #tpu.memory_space<semaphore_mem>>) src(%arg8 : memref<128x128xf32, #tpu.memory_space<vmem>>) dst(%dma_wait3A_43 : memref<128x128xf32, #tpu.memory_space<vmem_shared>>)
      tpu.yield
    }) : () -> ()
    %mul3A_13 = arith.constant 632 : i32
    %mul3A_14 = arith.muli %arg1, %mul3A_13 : i32
    %add3A_15 = arith.constant 256 : i32
    %add3A_16 = arith.addi %mul3A_14, %add3A_15 : i32
    "tpu.region"() ({
      %run_scoped3A = tpu.sem_alloc : memref<!tpu.dma_semaphore, #tpu.memory_space<semaphore_mem>>
      %dma_start3A = arith.constant 0 : i32
      %dma_start3A_38 = tpu.memref_slice %arg12[%add3A_16, %dma_start3A] : memref<10112x128xf32, #tpu.memory_space<vmem_shared>> -> memref<128x128xf32, #tpu.memory_space<vmem_shared>>
      %dma_start3A_39 = arith.constant 0 : i32
      %dma_start3A_40 = tpu.memref_slice %arg12[%add3A_16, %dma_start3A_39] : memref<10112x128xf32, #tpu.memory_space<vmem_shared>> -> memref<128x128xf32, #tpu.memory_space<vmem_shared>>
      tpu.enqueue_dma source(%arg8 : memref<128x128xf32, #tpu.memory_space<vmem>>) target(%dma_start3A_40 : memref<128x128xf32, #tpu.memory_space<vmem_shared>>) target_semaphore(%run_scoped3A : memref<!tpu.dma_semaphore, #tpu.memory_space<semaphore_mem>>)
      %dma_wait3A = arith.constant 0 : i32
      %dma_wait3A_41 = tpu.memref_slice %arg12[%add3A_16, %dma_wait3A] : memref<10112x128xf32, #tpu.memory_space<vmem_shared>> -> memref<128x128xf32, #tpu.memory_space<vmem_shared>>
      %dma_wait3A_42 = arith.constant 0 : i32
      %dma_wait3A_43 = tpu.memref_slice %arg12[%add3A_16, %dma_wait3A_42] : memref<10112x128xf32, #tpu.memory_space<vmem_shared>> -> memref<128x128xf32, #tpu.memory_space<vmem_shared>>
      tpu.wait_dma2 semaphore(%run_scoped3A : memref<!tpu.dma_semaphore, #tpu.memory_space<semaphore_mem>>) src(%arg8 : memref<128x128xf32, #tpu.memory_space<vmem>>) dst(%dma_wait3A_43 : memref<128x128xf32, #tpu.memory_space<vmem_shared>>)
      tpu.yield
    }) : () -> ()
    %mul3A_17 = arith.constant 632 : i32
    %mul3A_18 = arith.muli %arg1, %mul3A_17 : i32
    %add3A_19 = arith.constant 384 : i32
    %add3A_20 = arith.addi %mul3A_18, %add3A_19 : i32
    "tpu.region"() ({
      %run_scoped3A = tpu.sem_alloc : memref<!tpu.dma_semaphore, #tpu.memory_space<semaphore_mem>>
      %dma_start3A = arith.constant 0 : i32
      %dma_start3A_38 = tpu.memref_slice %arg12[%add3A_20, %dma_start3A] : memref<10112x128xf32, #tpu.memory_space<vmem_shared>> -> memref<128x128xf32, #tpu.memory_space<vmem_shared>>
      %dma_start3A_39 = arith.constant 0 : i32
      %dma_start3A_40 = tpu.memref_slice %arg12[%add3A_20, %dma_start3A_39] : memref<10112x128xf32, #tpu.memory_space<vmem_shared>> -> memref<128x128xf32, #tpu.memory_space<vmem_shared>>
      tpu.enqueue_dma source(%arg8 : memref<128x128xf32, #tpu.memory_space<vmem>>) target(%dma_start3A_40 : memref<128x128xf32, #tpu.memory_space<vmem_shared>>) target_semaphore(%run_scoped3A : memref<!tpu.dma_semaphore, #tpu.memory_space<semaphore_mem>>)
      %dma_wait3A = arith.constant 0 : i32
      %dma_wait3A_41 = tpu.memref_slice %arg12[%add3A_20, %dma_wait3A] : memref<10112x128xf32, #tpu.memory_space<vmem_shared>> -> memref<128x128xf32, #tpu.memory_space<vmem_shared>>
      %dma_wait3A_42 = arith.constant 0 : i32
      %dma_wait3A_43 = tpu.memref_slice %arg12[%add3A_20, %dma_wait3A_42] : memref<10112x128xf32, #tpu.memory_space<vmem_shared>> -> memref<128x128xf32, #tpu.memory_space<vmem_shared>>
      tpu.wait_dma2 semaphore(%run_scoped3A : memref<!tpu.dma_semaphore, #tpu.memory_space<semaphore_mem>>) src(%arg8 : memref<128x128xf32, #tpu.memory_space<vmem>>) dst(%dma_wait3A_43 : memref<128x128xf32, #tpu.memory_space<vmem_shared>>)
      tpu.yield
    }) : () -> ()
    %mul3A_21 = arith.constant 632 : i32
    %mul3A_22 = arith.muli %arg1, %mul3A_21 : i32
    %add3A_23 = arith.constant 632 : i32
    %add3A_24 = arith.addi %mul3A_22, %add3A_23 : i32
    %sub3A = arith.constant 120 : i32
    %sub3A_25 = arith.subi %add3A_24, %sub3A : i32
    "tpu.region"() ({
      %run_scoped3A = tpu.sem_alloc : memref<!tpu.dma_semaphore, #tpu.memory_space<semaphore_mem>>
      %dma_start3A = arith.constant 0 : i32
      %dma_start3A_38 = arith.constant 0 : i32
      %dma_start3A_39 = tpu.memref_slice %arg8[%dma_start3A, %dma_start3A_38] : memref<128x128xf32, #tpu.memory_space<vmem>> -> memref<120x128xf32, #tpu.memory_space<vmem>>
      %dma_start3A_40 = arith.constant 0 : i32
      %dma_start3A_41 = tpu.memref_slice %arg12[%sub3A_25, %dma_start3A_40] : memref<10112x128xf32, #tpu.memory_space<vmem_shared>> -> memref<120x128xf32, #tpu.memory_space<vmem_shared>>
      %dma_start3A_42 = arith.constant 0 : i32
      %dma_start3A_43 = tpu.memref_slice %arg12[%sub3A_25, %dma_start3A_42] : memref<10112x128xf32, #tpu.memory_space<vmem_shared>> -> memref<120x128xf32, #tpu.memory_space<vmem_shared>>
      %dma_start3A_44 = arith.constant 0 : i32
      %dma_start3A_45 = arith.constant 0 : i32
      %dma_start3A_46 = tpu.memref_slice %arg8[%dma_start3A_44, %dma_start3A_45] : memref<128x128xf32, #tpu.memory_space<vmem>> -> memref<120x128xf32, #tpu.memory_space<vmem>>
      tpu.enqueue_dma source(%dma_start3A_46 : memref<120x128xf32, #tpu.memory_space<vmem>>) target(%dma_start3A_43 : memref<120x128xf32, #tpu.memory_space<vmem_shared>>) target_semaphore(%run_scoped3A : memref<!tpu.dma_semaphore, #tpu.memory_space<semaphore_mem>>)
      %dma_wait3A = arith.constant 0 : i32
      %dma_wait3A_47 = arith.constant 0 : i32
      %dma_wait3A_48 = tpu.memref_slice %arg8[%dma_wait3A, %dma_wait3A_47] : memref<128x128xf32, #tpu.memory_space<vmem>> -> memref<120x128xf32, #tpu.memory_space<vmem>>
      %dma_wait3A_49 = arith.constant 0 : i32
      %dma_wait3A_50 = tpu.memref_slice %arg12[%sub3A_25, %dma_wait3A_49] : memref<10112x128xf32, #tpu.memory_space<vmem_shared>> -> memref<120x128xf32, #tpu.memory_space<vmem_shared>>
      %dma_wait3A_51 = arith.constant 0 : i32
      %dma_wait3A_52 = tpu.memref_slice %arg12[%sub3A_25, %dma_wait3A_51] : memref<10112x128xf32, #tpu.memory_space<vmem_shared>> -> memref<120x128xf32, #tpu.memory_space<vmem_shared>>
      %dma_wait3A_53 = arith.constant 0 : i32
      %dma_wait3A_54 = arith.constant 0 : i32
      %dma_wait3A_55 = tpu.memref_slice %arg8[%dma_wait3A_53, %dma_wait3A_54] : memref<128x128xf32, #tpu.memory_space<vmem>> -> memref<120x128xf32, #tpu.memory_space<vmem>>
      tpu.wait_dma2 semaphore(%run_scoped3A : memref<!tpu.dma_semaphore, #tpu.memory_space<semaphore_mem>>) src(%dma_wait3A_55 : memref<120x128xf32, #tpu.memory_space<vmem>>) dst(%dma_wait3A_52 : memref<120x128xf32, #tpu.memory_space<vmem_shared>>)
      tpu.yield
    }) : () -> ()
    %barrier3A = arith.constant 0 : index
    tpu.barrier barrier_id(%barrier3A)
    %mul3A_26 = arith.constant 80 : i32
    %mul3A_27 = arith.muli %add3A, %mul3A_26 : i32
    %scan3A_28 = arith.constant 0 : i32
    %scan3A_29 = arith.constant 2 : i32
    %scan3A_30 = arith.addi %scan3A_28, %scan3A_29 : i32
    %scan3A_31 = arith.constant 1 : i32
    scf.for %scan3A_38 = %scan3A_28 to %scan3A_30 step %scan3A_31  : i32 {
      %mul3A_39 = arith.constant 1 : i32
      %mul3A_40 = arith.muli %scan3A_38, %mul3A_39 : i32
      %add3A_41 = arith.constant 0 : i32
      %add3A_42 = arith.addi %add3A_41, %mul3A_40 : i32
      %mul3A_43 = arith.constant 40 : i32
      %mul3A_44 = arith.muli %add3A_42, %mul3A_43 : i32
      %add3A_45 = arith.addi %mul3A_27, %mul3A_44 : i32
      "tpu.region"() ({
        %run_scoped3A = tpu.sem_alloc : memref<!tpu.dma_semaphore, #tpu.memory_space<semaphore_mem>>
        %dma_start3A_63 = arith.constant 0 : i32
        %dma_start3A_64 = arith.constant 0 : i32
        %dma_start3A_65 = tpu.memref_slice %arg6[%dma_start3A_63, %dma_start3A_64] : memref<48x128xi32, #tpu.memory_space<vmem>> -> memref<40x128xi32, #tpu.memory_space<vmem>>
        %dma_start3A_66 = arith.constant 0 : i32
        %dma_start3A_67 = tpu.memref_slice %arg3[%add3A_45, %dma_start3A_66] : memref<2560x128xi32, #tpu.memory_space<hbm>> -> memref<40x128xi32, #tpu.memory_space<hbm>>
        %dma_start3A_68 = arith.constant 0 : i32
        %dma_start3A_69 = arith.constant 0 : i32
        %dma_start3A_70 = tpu.memref_slice %arg6[%dma_start3A_68, %dma_start3A_69] : memref<48x128xi32, #tpu.memory_space<vmem>> -> memref<40x128xi32, #tpu.memory_space<vmem>>
        %dma_start3A_71 = arith.constant 0 : i32
        %dma_start3A_72 = tpu.memref_slice %arg3[%add3A_45, %dma_start3A_71] : memref<2560x128xi32, #tpu.memory_space<hbm>> -> memref<40x128xi32, #tpu.memory_space<hbm>>
        tpu.enqueue_dma source(%dma_start3A_72 : memref<40x128xi32, #tpu.memory_space<hbm>>) target(%dma_start3A_70 : memref<40x128xi32, #tpu.memory_space<vmem>>) target_semaphore(%run_scoped3A : memref<!tpu.dma_semaphore, #tpu.memory_space<semaphore_mem>>)
        %dma_wait3A_73 = arith.constant 0 : i32
        %dma_wait3A_74 = arith.constant 0 : i32
        %dma_wait3A_75 = tpu.memref_slice %arg6[%dma_wait3A_73, %dma_wait3A_74] : memref<48x128xi32, #tpu.memory_space<vmem>> -> memref<40x128xi32, #tpu.memory_space<vmem>>
        %dma_wait3A_76 = arith.constant 0 : i32
        %dma_wait3A_77 = tpu.memref_slice %arg3[%add3A_45, %dma_wait3A_76] : memref<2560x128xi32, #tpu.memory_space<hbm>> -> memref<40x128xi32, #tpu.memory_space<hbm>>
        %dma_wait3A_78 = arith.constant 0 : i32
        %dma_wait3A_79 = arith.constant 0 : i32
        %dma_wait3A_80 = tpu.memref_slice %arg6[%dma_wait3A_78, %dma_wait3A_79] : memref<48x128xi32, #tpu.memory_space<vmem>> -> memref<40x128xi32, #tpu.memory_space<vmem>>
        %dma_wait3A_81 = arith.constant 0 : i32
        %dma_wait3A_82 = tpu.memref_slice %arg3[%add3A_45, %dma_wait3A_81] : memref<2560x128xi32, #tpu.memory_space<hbm>> -> memref<40x128xi32, #tpu.memory_space<hbm>>
        tpu.wait_dma2 semaphore(%run_scoped3A : memref<!tpu.dma_semaphore, #tpu.memory_space<semaphore_mem>>) src(%dma_wait3A_82 : memref<40x128xi32, #tpu.memory_space<hbm>>) dst(%dma_wait3A_80 : memref<40x128xi32, #tpu.memory_space<vmem>>)
        tpu.yield
      }) : () -> ()
      "tpu.region"() ({
        %run_scoped3A = tpu.sem_alloc : memref<!tpu.dma_semaphore, #tpu.memory_space<semaphore_mem>>
        %dma_start3A_63 = arith.constant 40 : i32
        %dma_start3A_64 = arith.constant 0 : i32
        %dma_start3A_65 = tpu.memref_slice %arg6[%dma_start3A_63, %dma_start3A_64] : memref<48x128xi32, #tpu.memory_space<vmem>> -> memref<8x128xi32, #tpu.memory_space<vmem>>
        %dma_start3A_66 = arith.constant 0 : i32
        %dma_start3A_67 = tpu.memref_slice %arg3[%add3A_45, %dma_start3A_66] : memref<2560x128xi32, #tpu.memory_space<hbm>> -> memref<8x128xi32, #tpu.memory_space<hbm>>
        %dma_start3A_68 = arith.constant 40 : i32
        %dma_start3A_69 = arith.constant 0 : i32
        %dma_start3A_70 = tpu.memref_slice %arg6[%dma_start3A_68, %dma_start3A_69] : memref<48x128xi32, #tpu.memory_space<vmem>> -> memref<8x128xi32, #tpu.memory_space<vmem>>
        %dma_start3A_71 = arith.constant 0 : i32
        %dma_start3A_72 = tpu.memref_slice %arg3[%add3A_45, %dma_start3A_71] : memref<2560x128xi32, #tpu.memory_space<hbm>> -> memref<8x128xi32, #tpu.memory_space<hbm>>
        tpu.enqueue_dma source(%dma_start3A_72 : memref<8x128xi32, #tpu.memory_space<hbm>>) target(%dma_start3A_70 : memref<8x128xi32, #tpu.memory_space<vmem>>) target_semaphore(%run_scoped3A : memref<!tpu.dma_semaphore, #tpu.memory_space<semaphore_mem>>)
        %dma_wait3A_73 = arith.constant 40 : i32
        %dma_wait3A_74 = arith.constant 0 : i32
        %dma_wait3A_75 = tpu.memref_slice %arg6[%dma_wait3A_73, %dma_wait3A_74] : memref<48x128xi32, #tpu.memory_space<vmem>> -> memref<8x128xi32, #tpu.memory_space<vmem>>
        %dma_wait3A_76 = arith.constant 0 : i32
        %dma_wait3A_77 = tpu.memref_slice %arg3[%add3A_45, %dma_wait3A_76] : memref<2560x128xi32, #tpu.memory_space<hbm>> -> memref<8x128xi32, #tpu.memory_space<hbm>>
        %dma_wait3A_78 = arith.constant 40 : i32
        %dma_wait3A_79 = arith.constant 0 : i32
        %dma_wait3A_80 = tpu.memref_slice %arg6[%dma_wait3A_78, %dma_wait3A_79] : memref<48x128xi32, #tpu.memory_space<vmem>> -> memref<8x128xi32, #tpu.memory_space<vmem>>
        %dma_wait3A_81 = arith.constant 0 : i32
        %dma_wait3A_82 = tpu.memref_slice %arg3[%add3A_45, %dma_wait3A_81] : memref<2560x128xi32, #tpu.memory_space<hbm>> -> memref<8x128xi32, #tpu.memory_space<hbm>>
        tpu.wait_dma2 semaphore(%run_scoped3A : memref<!tpu.dma_semaphore, #tpu.memory_space<semaphore_mem>>) src(%dma_wait3A_82 : memref<8x128xi32, #tpu.memory_space<hbm>>) dst(%dma_wait3A_80 : memref<8x128xi32, #tpu.memory_space<vmem>>)
        tpu.yield
      }) : () -> ()
      "tpu.region"() ({
        %run_scoped3A = tpu.sem_alloc : memref<!tpu.dma_semaphore, #tpu.memory_space<semaphore_mem>>
        %dma_start3A_63 = arith.constant 0 : i32
        %dma_start3A_64 = tpu.memref_slice %arg4[%add3A_45, %dma_start3A_63] : memref<2560x128xi32, #tpu.memory_space<hbm>> -> memref<40x128xi32, #tpu.memory_space<hbm>>
        %dma_start3A_65 = arith.constant 0 : i32
        %dma_start3A_66 = tpu.memref_slice %arg4[%add3A_45, %dma_start3A_65] : memref<2560x128xi32, #tpu.memory_space<hbm>> -> memref<40x128xi32, #tpu.memory_space<hbm>>
        tpu.enqueue_dma source(%dma_start3A_66 : memref<40x128xi32, #tpu.memory_space<hbm>>) target(%arg7 : memref<40x128xi32, #tpu.memory_space<vmem>>) target_semaphore(%run_scoped3A : memref<!tpu.dma_semaphore, #tpu.memory_space<semaphore_mem>>)
        %dma_wait3A_67 = arith.constant 0 : i32
        %dma_wait3A_68 = tpu.memref_slice %arg4[%add3A_45, %dma_wait3A_67] : memref<2560x128xi32, #tpu.memory_space<hbm>> -> memref<40x128xi32, #tpu.memory_space<hbm>>
        %dma_wait3A_69 = arith.constant 0 : i32
        %dma_wait3A_70 = tpu.memref_slice %arg4[%add3A_45, %dma_wait3A_69] : memref<2560x128xi32, #tpu.memory_space<hbm>> -> memref<40x128xi32, #tpu.memory_space<hbm>>
        tpu.wait_dma2 semaphore(%run_scoped3A : memref<!tpu.dma_semaphore, #tpu.memory_space<semaphore_mem>>) src(%dma_wait3A_70 : memref<40x128xi32, #tpu.memory_space<hbm>>) dst(%arg7 : memref<40x128xi32, #tpu.memory_space<vmem>>)
        tpu.yield
      }) : () -> ()
      %dma_start3A = arith.constant 0 : i32
      %dma_start3A_46 = arith.constant 0 : i32
      %dma_start3A_47 = tpu.memref_slice %arg6[%dma_start3A, %dma_start3A_46] : memref<48x128xi32, #tpu.memory_space<vmem>> -> memref<1x128xi32, #tpu.memory_space<vmem>>
      %dma_start3A_48 = tpu.memref_squeeze %dma_start3A_47 : memref<1x128xi32, #tpu.memory_space<vmem>> -> memref<128xi32, #tpu.memory_space<vmem>>
      %dma_start3A_49 = arith.constant 0 : i32
      %dma_start3A_50 = arith.constant 0 : i32
      %dma_start3A_51 = tpu.memref_slice %arg2[%dma_start3A_49, %dma_start3A_50] : memref<10000x128xf32, #tpu.memory_space<hbm>> -> memref<10000x128xf32, #tpu.memory_space<hbm>>
      tpu.enqueue_indirect_dma source(%dma_start3A_51 : memref<10000x128xf32, #tpu.memory_space<hbm>>) target(%arg8 : memref<128x128xf32, #tpu.memory_space<vmem>>) offsets(%dma_start3A_48 : memref<128xi32, #tpu.memory_space<vmem>>) semaphore(%arg10 : memref<!tpu.dma_semaphore, #tpu.memory_space<semaphore_mem>>)
      %scan3A_52 = arith.constant 0 : i32
      %scan3A_53 = arith.constant 20 : i32
      %scan3A_54 = arith.addi %scan3A_52, %scan3A_53 : i32
      %scan3A_55 = arith.constant 1 : i32
      scf.for %scan3A_63 = %scan3A_52 to %scan3A_54 step %scan3A_55  : i32 {
        %mul3A_64 = arith.constant 1 : i32
        %mul3A_65 = arith.muli %scan3A_63, %mul3A_64 : i32
        %add3A_66 = arith.constant 0 : i32
        %add3A_67 = arith.addi %add3A_66, %mul3A_65 : i32
        %mul3A_68 = arith.constant 2 : i32
        %mul3A_69 = arith.muli %mul3A_68, %add3A_67 : i32
        %dma_wait3A_70 = arith.constant 0 : i32
        %dma_wait3A_71 = tpu.memref_slice %arg6[%mul3A_69, %dma_wait3A_70] : memref<48x128xi32, #tpu.memory_space<vmem>> -> memref<1x128xi32, #tpu.memory_space<vmem>>
        %dma_wait3A_72 = tpu.memref_squeeze %dma_wait3A_71 : memref<1x128xi32, #tpu.memory_space<vmem>> -> memref<128xi32, #tpu.memory_space<vmem>>
        %dma_wait3A_73 = arith.constant 0 : i32
        %dma_wait3A_74 = arith.constant 0 : i32
        %dma_wait3A_75 = tpu.memref_slice %arg2[%dma_wait3A_73, %dma_wait3A_74] : memref<10000x128xf32, #tpu.memory_space<hbm>> -> memref<10000x128xf32, #tpu.memory_space<hbm>>
        tpu.wait_indirect_dma semaphore(%arg10 : memref<!tpu.dma_semaphore, #tpu.memory_space<semaphore_mem>>) src(%dma_wait3A_75 : memref<10000x128xf32, #tpu.memory_space<hbm>>) dst(%arg8 : memref<128x128xf32, #tpu.memory_space<vmem>>)
        %add3A_76 = arith.constant 1 : i32
        %add3A_77 = arith.addi %mul3A_69, %add3A_76 : i32
        %dma_start3A_78 = arith.constant 0 : i32
        %dma_start3A_79 = tpu.memref_slice %arg6[%add3A_77, %dma_start3A_78] : memref<48x128xi32, #tpu.memory_space<vmem>> -> memref<1x128xi32, #tpu.memory_space<vmem>>
        %dma_start3A_80 = tpu.memref_squeeze %dma_start3A_79 : memref<1x128xi32, #tpu.memory_space<vmem>> -> memref<128xi32, #tpu.memory_space<vmem>>
        %dma_start3A_81 = arith.constant 0 : i32
        %dma_start3A_82 = arith.constant 0 : i32
        %dma_start3A_83 = tpu.memref_slice %arg2[%dma_start3A_81, %dma_start3A_82] : memref<10000x128xf32, #tpu.memory_space<hbm>> -> memref<10000x128xf32, #tpu.memory_space<hbm>>
        tpu.enqueue_indirect_dma source(%dma_start3A_83 : memref<10000x128xf32, #tpu.memory_space<hbm>>) target(%arg9 : memref<128x128xf32, #tpu.memory_space<vmem>>) offsets(%dma_start3A_80 : memref<128xi32, #tpu.memory_space<vmem>>) semaphore(%arg11 : memref<!tpu.dma_semaphore, #tpu.memory_space<semaphore_mem>>)
        "tpu.region"() ({
          %run_scoped3A = tpu.sem_alloc : memref<!tpu.dma_semaphore, #tpu.memory_space<semaphore_mem>>
          %dma_start3A_102 = arith.constant 0 : i32
          %dma_start3A_103 = tpu.memref_slice %arg7[%mul3A_69, %dma_start3A_102] : memref<40x128xi32, #tpu.memory_space<vmem>> -> memref<1x128xi32, #tpu.memory_space<vmem>>
          %dma_start3A_104 = tpu.memref_squeeze %dma_start3A_103 : memref<1x128xi32, #tpu.memory_space<vmem>> -> memref<128xi32, #tpu.memory_space<vmem>>
          %dma_start3A_105 = arith.constant 0 : i32
          %dma_start3A_106 = arith.constant 0 : i32
          %dma_start3A_107 = tpu.memref_slice %arg12[%dma_start3A_105, %dma_start3A_106] : memref<10112x128xf32, #tpu.memory_space<vmem_shared>> -> memref<10112x128xf32, #tpu.memory_space<vmem_shared>>
          tpu.enqueue_indirect_dma source(%arg8 : memref<128x128xf32, #tpu.memory_space<vmem>>) target(%dma_start3A_107 : memref<10112x128xf32, #tpu.memory_space<vmem_shared>>) offsets(%dma_start3A_104 : memref<128xi32, #tpu.memory_space<vmem>>) semaphore(%run_scoped3A : memref<!tpu.dma_semaphore, #tpu.memory_space<semaphore_mem>>) {add = true}
          %dma_wait3A_108 = arith.constant 0 : i32
          %dma_wait3A_109 = tpu.memref_slice %arg7[%mul3A_69, %dma_wait3A_108] : memref<40x128xi32, #tpu.memory_space<vmem>> -> memref<1x128xi32, #tpu.memory_space<vmem>>
          %dma_wait3A_110 = tpu.memref_squeeze %dma_wait3A_109 : memref<1x128xi32, #tpu.memory_space<vmem>> -> memref<128xi32, #tpu.memory_space<vmem>>
          %dma_wait3A_111 = arith.constant 0 : i32
          %dma_wait3A_112 = arith.constant 0 : i32
          %dma_wait3A_113 = tpu.memref_slice %arg12[%dma_wait3A_111, %dma_wait3A_112] : memref<10112x128xf32, #tpu.memory_space<vmem_shared>> -> memref<10112x128xf32, #tpu.memory_space<vmem_shared>>
          tpu.wait_indirect_dma semaphore(%run_scoped3A : memref<!tpu.dma_semaphore, #tpu.memory_space<semaphore_mem>>) src(%arg8 : memref<128x128xf32, #tpu.memory_space<vmem>>) dst(%dma_wait3A_113 : memref<10112x128xf32, #tpu.memory_space<vmem_shared>>)
          tpu.yield
        }) : () -> ()
        %add3A_84 = arith.constant 1 : i32
        %add3A_85 = arith.addi %mul3A_69, %add3A_84 : i32
        %dma_wait3A_86 = arith.constant 0 : i32
        %dma_wait3A_87 = tpu.memref_slice %arg6[%add3A_85, %dma_wait3A_86] : memref<48x128xi32, #tpu.memory_space<vmem>> -> memref<1x128xi32, #tpu.memory_space<vmem>>
        %dma_wait3A_88 = tpu.memref_squeeze %dma_wait3A_87 : memref<1x128xi32, #tpu.memory_space<vmem>> -> memref<128xi32, #tpu.memory_space<vmem>>
        %dma_wait3A_89 = arith.constant 0 : i32
        %dma_wait3A_90 = arith.constant 0 : i32
        %dma_wait3A_91 = tpu.memref_slice %arg2[%dma_wait3A_89, %dma_wait3A_90] : memref<10000x128xf32, #tpu.memory_space<hbm>> -> memref<10000x128xf32, #tpu.memory_space<hbm>>
        tpu.wait_indirect_dma semaphore(%arg11 : memref<!tpu.dma_semaphore, #tpu.memory_space<semaphore_mem>>) src(%dma_wait3A_91 : memref<10000x128xf32, #tpu.memory_space<hbm>>) dst(%arg9 : memref<128x128xf32, #tpu.memory_space<vmem>>)
        %add3A_92 = arith.constant 2 : i32
        %add3A_93 = arith.addi %mul3A_69, %add3A_92 : i32
        %dma_start3A_94 = arith.constant 0 : i32
        %dma_start3A_95 = tpu.memref_slice %arg6[%add3A_93, %dma_start3A_94] : memref<48x128xi32, #tpu.memory_space<vmem>> -> memref<1x128xi32, #tpu.memory_space<vmem>>
        %dma_start3A_96 = tpu.memref_squeeze %dma_start3A_95 : memref<1x128xi32, #tpu.memory_space<vmem>> -> memref<128xi32, #tpu.memory_space<vmem>>
        %dma_start3A_97 = arith.constant 0 : i32
        %dma_start3A_98 = arith.constant 0 : i32
        %dma_start3A_99 = tpu.memref_slice %arg2[%dma_start3A_97, %dma_start3A_98] : memref<10000x128xf32, #tpu.memory_space<hbm>> -> memref<10000x128xf32, #tpu.memory_space<hbm>>
        tpu.enqueue_indirect_dma source(%dma_start3A_99 : memref<10000x128xf32, #tpu.memory_space<hbm>>) target(%arg8 : memref<128x128xf32, #tpu.memory_space<vmem>>) offsets(%dma_start3A_96 : memref<128xi32, #tpu.memory_space<vmem>>) semaphore(%arg10 : memref<!tpu.dma_semaphore, #tpu.memory_space<semaphore_mem>>)
        %add3A_100 = arith.constant 1 : i32
        %add3A_101 = arith.addi %mul3A_69, %add3A_100 : i32
        "tpu.region"() ({
          %run_scoped3A = tpu.sem_alloc : memref<!tpu.dma_semaphore, #tpu.memory_space<semaphore_mem>>
          %dma_start3A_102 = arith.constant 0 : i32
          %dma_start3A_103 = tpu.memref_slice %arg7[%add3A_101, %dma_start3A_102] : memref<40x128xi32, #tpu.memory_space<vmem>> -> memref<1x128xi32, #tpu.memory_space<vmem>>
          %dma_start3A_104 = tpu.memref_squeeze %dma_start3A_103 : memref<1x128xi32, #tpu.memory_space<vmem>> -> memref<128xi32, #tpu.memory_space<vmem>>
          %dma_start3A_105 = arith.constant 0 : i32
          %dma_start3A_106 = arith.constant 0 : i32
          %dma_start3A_107 = tpu.memref_slice %arg12[%dma_start3A_105, %dma_start3A_106] : memref<10112x128xf32, #tpu.memory_space<vmem_shared>> -> memref<10112x128xf32, #tpu.memory_space<vmem_shared>>
          tpu.enqueue_indirect_dma source(%arg9 : memref<128x128xf32, #tpu.memory_space<vmem>>) target(%dma_start3A_107 : memref<10112x128xf32, #tpu.memory_space<vmem_shared>>) offsets(%dma_start3A_104 : memref<128xi32, #tpu.memory_space<vmem>>) semaphore(%run_scoped3A : memref<!tpu.dma_semaphore, #tpu.memory_space<semaphore_mem>>) {add = true}
          %dma_wait3A_108 = arith.constant 0 : i32
          %dma_wait3A_109 = tpu.memref_slice %arg7[%add3A_101, %dma_wait3A_108] : memref<40x128xi32, #tpu.memory_space<vmem>> -> memref<1x128xi32, #tpu.memory_space<vmem>>
          %dma_wait3A_110 = tpu.memref_squeeze %dma_wait3A_109 : memref<1x128xi32, #tpu.memory_space<vmem>> -> memref<128xi32, #tpu.memory_space<vmem>>
          %dma_wait3A_111 = arith.constant 0 : i32
          %dma_wait3A_112 = arith.constant 0 : i32
          %dma_wait3A_113 = tpu.memref_slice %arg12[%dma_wait3A_111, %dma_wait3A_112] : memref<10112x128xf32, #tpu.memory_space<vmem_shared>> -> memref<10112x128xf32, #tpu.memory_space<vmem_shared>>
          tpu.wait_indirect_dma semaphore(%run_scoped3A : memref<!tpu.dma_semaphore, #tpu.memory_space<semaphore_mem>>) src(%arg9 : memref<128x128xf32, #tpu.memory_space<vmem>>) dst(%dma_wait3A_113 : memref<10112x128xf32, #tpu.memory_space<vmem_shared>>)
          tpu.yield
        }) : () -> ()
      }
      %scan3A_56 = arith.constant 20 : i32
      %dma_wait3A = arith.constant 40 : i32
      %dma_wait3A_57 = arith.constant 0 : i32
      %dma_wait3A_58 = tpu.memref_slice %arg6[%dma_wait3A, %dma_wait3A_57] : memref<48x128xi32, #tpu.memory_space<vmem>> -> memref<1x128xi32, #tpu.memory_space<vmem>>
      %dma_wait3A_59 = tpu.memref_squeeze %dma_wait3A_58 : memref<1x128xi32, #tpu.memory_space<vmem>> -> memref<128xi32, #tpu.memory_space<vmem>>
      %dma_wait3A_60 = arith.constant 0 : i32
      %dma_wait3A_61 = arith.constant 0 : i32
      %dma_wait3A_62 = tpu.memref_slice %arg2[%dma_wait3A_60, %dma_wait3A_61] : memref<10000x128xf32, #tpu.memory_space<hbm>> -> memref<10000x128xf32, #tpu.memory_space<hbm>>
      tpu.wait_indirect_dma semaphore(%arg10 : memref<!tpu.dma_semaphore, #tpu.memory_space<semaphore_mem>>) src(%dma_wait3A_62 : memref<10000x128xf32, #tpu.memory_space<hbm>>) dst(%arg8 : memref<128x128xf32, #tpu.memory_space<vmem>>)
    }
    %scan3A_32 = arith.constant 2 : i32
    %barrier3A_33 = arith.constant 0 : index
    tpu.barrier barrier_id(%barrier3A_33)
    %mul3A_34 = arith.constant 632 : i32
    %mul3A_35 = arith.muli %arg1, %mul3A_34 : i32
    %mul3A_36 = arith.constant 632 : i32
    %mul3A_37 = arith.muli %arg1, %mul3A_36 : i32
    "tpu.region"() ({
      %run_scoped3A = tpu.sem_alloc : memref<!tpu.dma_semaphore, #tpu.memory_space<semaphore_mem>>
      %dma_start3A = arith.constant 0 : i32
      %dma_start3A_38 = tpu.memref_slice %arg5[%arg0, %mul3A_37, %dma_start3A] : memref<2x10112x128xf32, #tpu.memory_space<hbm>> -> memref<1x632x128xf32, #tpu.memory_space<hbm>>
      %dma_start3A_39 = tpu.memref_squeeze %dma_start3A_38 : memref<1x632x128xf32, #tpu.memory_space<hbm>> -> memref<632x128xf32, #tpu.memory_space<hbm>>
      %dma_start3A_40 = arith.constant 0 : i32
      %dma_start3A_41 = tpu.memref_slice %arg12[%mul3A_35, %dma_start3A_40] : memref<10112x128xf32, #tpu.memory_space<vmem_shared>> -> memref<632x128xf32, #tpu.memory_space<vmem_shared>>
      tpu.enqueue_dma source(%dma_start3A_41 : memref<632x128xf32, #tpu.memory_space<vmem_shared>>) target(%dma_start3A_39 : memref<632x128xf32, #tpu.memory_space<hbm>>) target_semaphore(%run_scoped3A : memref<!tpu.dma_semaphore, #tpu.memory_space<semaphore_mem>>)
      %dma_wait3A = arith.constant 0 : i32
      %dma_wait3A_42 = tpu.memref_slice %arg5[%arg0, %mul3A_37, %dma_wait3A] : memref<2x10112x128xf32, #tpu.memory_space<hbm>> -> memref<1x632x128xf32, #tpu.memory_space<hbm>>
      %dma_wait3A_43 = tpu.memref_squeeze %dma_wait3A_42 : memref<1x632x128xf32, #tpu.memory_space<hbm>> -> memref<632x128xf32, #tpu.memory_space<hbm>>
      %dma_wait3A_44 = arith.constant 0 : i32
      %dma_wait3A_45 = tpu.memref_slice %arg12[%mul3A_35, %dma_wait3A_44] : memref<10112x128xf32, #tpu.memory_space<vmem_shared>> -> memref<632x128xf32, #tpu.memory_space<vmem_shared>>
      tpu.wait_dma2 semaphore(%run_scoped3A : memref<!tpu.dma_semaphore, #tpu.memory_space<semaphore_mem>>) src(%dma_wait3A_45 : memref<632x128xf32, #tpu.memory_space<vmem_shared>>) dst(%dma_wait3A_43 : memref<632x128xf32, #tpu.memory_space<hbm>>)
      tpu.yield
    }) : () -> ()
    return
  }
}

#map = affine_map<(d0, d1) -> (0, 0)>
#map1 = affine_map<(d0, d1) -> (0, 0, 0)>
module attributes {stable_mosaic.version = 14 : i64} {
  func.func @agg_kernel(%arg0: i32, %arg1: i32, %arg2: memref<10000x128xf32, #tpu.memory_space<hbm>>, %arg3: memref<2560x128xi32, #tpu.memory_space<hbm>>, %arg4: memref<2560x128xi32, #tpu.memory_space<hbm>>, %arg5: memref<2x10112x128xf32, #tpu.memory_space<hbm>>, %arg6: memref<48x128xi32, #tpu.memory_space<vmem>>, %arg7: memref<40x128xi32, #tpu.memory_space<vmem>>, %arg8: memref<128x128xf32, #tpu.memory_space<vmem>>, %arg9: memref<128x128xf32, #tpu.memory_space<vmem>>, %arg10: memref<!tpu.dma_semaphore, #tpu.memory_space<semaphore_mem>>, %arg11: memref<!tpu.dma_semaphore, #tpu.memory_space<semaphore_mem>>, %arg12: memref<10112x128xf32, #tpu.memory_space<vmem_shared>>) attributes {dimension_semantics = [#tpu.dimension_semantics<core_parallel>, #tpu.dimension_semantics<subcore_parallel>], iteration_bounds = array<i64: 2, 16>, scalar_prefetch = 0 : i64, scratch_operands = 7 : i64, tpu.core_type = #tpu.core_type<sc_vector_subcore>, window_params = [{transform_indices = #map}, {transform_indices = #map}, {transform_indices = #map}, {transform_indices = #map1}]} {
    %mul3A = arith.constant 16 : i32
    %mul3A_0 = arith.muli %arg0, %mul3A : i32
    %add3A = arith.addi %mul3A_0, %arg1 : i32
    %scan3A = arith.constant 0 : i32
    %scan3A_1 = arith.constant 128 : i32
    %scan3A_2 = arith.addi %scan3A, %scan3A_1 : i32
    %scan3A_3 = arith.constant 1 : i32
    scf.for %scan3A_38 = %scan3A to %scan3A_2 step %scan3A_3  : i32 {
      %mul3A_39 = arith.constant 1 : i32
      %mul3A_40 = arith.muli %scan3A_38, %mul3A_39 : i32
      %add3A_41 = arith.constant 0 : i32
      %add3A_42 = arith.addi %add3A_41, %mul3A_40 : i32
      %scan3A_43 = arith.constant 0 : i32
      %scan3A_44 = arith.constant 8 : i32
      %scan3A_45 = arith.addi %scan3A_43, %scan3A_44 : i32
      %scan3A_46 = arith.constant 1 : i32
      scf.for %scan3A_48 = %scan3A_43 to %scan3A_45 step %scan3A_46  : i32 {
        %mul3A_49 = arith.constant 1 : i32
        %mul3A_50 = arith.muli %scan3A_48, %mul3A_49 : i32
        %add3A_51 = arith.constant 0 : i32
        %add3A_52 = arith.addi %add3A_51, %mul3A_50 : i32
        %broadcast_in_dim3A = arith.constant 0.000000e+00 : f32
        %broadcast_in_dim3A_53 = vector.broadcast %broadcast_in_dim3A : f32 to vector<16xf32>
        %mul3A_54 = arith.constant 16 : i32
        %mul3A_55 = arith.muli %add3A_52, %mul3A_54 : i32
        %swap3A = arith.index_cast %add3A_42 : i32 to index
        %swap3A_56 = arith.index_cast %mul3A_55 : i32 to index
        %swap3A_57 = tpu.vector_load %arg8[%swap3A, %swap3A_56] {strides = array<i32>} : memref<128x128xf32, #tpu.memory_space<vmem>>, vector<1x16xf32>,
        %swap3A_58 = vector.shape_cast %swap3A_57 : vector<1x16xf32> to vector<16xf32>
        %swap3A_59 = vector.shape_cast %broadcast_in_dim3A_53 : vector<16xf32> to vector<1x16xf32>
        tpu.vector_store %arg8[%swap3A, %swap3A_56], %swap3A_59 {strides = array<i32>} : memref<128x128xf32, #tpu.memory_space<vmem>>, vector<1x16xf32>,
      }
      %scan3A_47 = arith.constant 8 : i32
    }
    %scan3A_4 = arith.constant 128 : i32
    %mul3A_5 = arith.constant 632 : i32
    %mul3A_6 = arith.muli %arg1, %mul3A_5 : i32
    %add3A_7 = arith.constant 0 : i32
    %add3A_8 = arith.addi %mul3A_6, %add3A_7 : i32
    "tpu.region"() ({
      %run_scoped3A = tpu.sem_alloc : memref<!tpu.dma_semaphore, #tpu.memory_space<semaphore_mem>>
      %dma_start3A = arith.constant 0 : i32
      %dma_start3A_38 = tpu.memref_slice %arg12[%add3A_8, %dma_start3A] : memref<10112x128xf32, #tpu.memory_space<vmem_shared>> -> memref<128x128xf32, #tpu.memory_space<vmem_shared>>
      %dma_start3A_39 = arith.constant 0 : i32
      %dma_start3A_40 = tpu.memref_slice %arg12[%add3A_8, %dma_start3A_39] : memref<10112x128xf32, #tpu.memory_space<vmem_shared>> -> memref<128x128xf32, #tpu.memory_space<vmem_shared>>
      tpu.enqueue_dma source(%arg8 : memref<128x128xf32, #tpu.memory_space<vmem>>) target(%dma_start3A_40 : memref<128x128xf32, #tpu.memory_space<vmem_shared>>) target_semaphore(%run_scoped3A : memref<!tpu.dma_semaphore, #tpu.memory_space<semaphore_mem>>)
      %dma_wait3A = arith.constant 0 : i32
      %dma_wait3A_41 = tpu.memref_slice %arg12[%add3A_8, %dma_wait3A] : memref<10112x128xf32, #tpu.memory_space<vmem_shared>> -> memref<128x128xf32, #tpu.memory_space<vmem_shared>>
      %dma_wait3A_42 = arith.constant 0 : i32
      %dma_wait3A_43 = tpu.memref_slice %arg12[%add3A_8, %dma_wait3A_42] : memref<10112x128xf32, #tpu.memory_space<vmem_shared>> -> memref<128x128xf32, #tpu.memory_space<vmem_shared>>
      tpu.wait_dma2 semaphore(%run_scoped3A : memref<!tpu.dma_semaphore, #tpu.memory_space<semaphore_mem>>) src(%arg8 : memref<128x128xf32, #tpu.memory_space<vmem>>) dst(%dma_wait3A_43 : memref<128x128xf32, #tpu.memory_space<vmem_shared>>)
      tpu.yield
    }) : () -> ()
    %mul3A_9 = arith.constant 632 : i32
    %mul3A_10 = arith.muli %arg1, %mul3A_9 : i32
    %add3A_11 = arith.constant 128 : i32
    %add3A_12 = arith.addi %mul3A_10, %add3A_11 : i32
    "tpu.region"() ({
      %run_scoped3A = tpu.sem_alloc : memref<!tpu.dma_semaphore, #tpu.memory_space<semaphore_mem>>
      %dma_start3A = arith.constant 0 : i32
      %dma_start3A_38 = tpu.memref_slice %arg12[%add3A_12, %dma_start3A] : memref<10112x128xf32, #tpu.memory_space<vmem_shared>> -> memref<128x128xf32, #tpu.memory_space<vmem_shared>>
      %dma_start3A_39 = arith.constant 0 : i32
      %dma_start3A_40 = tpu.memref_slice %arg12[%add3A_12, %dma_start3A_39] : memref<10112x128xf32, #tpu.memory_space<vmem_shared>> -> memref<128x128xf32, #tpu.memory_space<vmem_shared>>
      tpu.enqueue_dma source(%arg8 : memref<128x128xf32, #tpu.memory_space<vmem>>) target(%dma_start3A_40 : memref<128x128xf32, #tpu.memory_space<vmem_shared>>) target_semaphore(%run_scoped3A : memref<!tpu.dma_semaphore, #tpu.memory_space<semaphore_mem>>)
      %dma_wait3A = arith.constant 0 : i32
      %dma_wait3A_41 = tpu.memref_slice %arg12[%add3A_12, %dma_wait3A] : memref<10112x128xf32, #tpu.memory_space<vmem_shared>> -> memref<128x128xf32, #tpu.memory_space<vmem_shared>>
      %dma_wait3A_42 = arith.constant 0 : i32
      %dma_wait3A_43 = tpu.memref_slice %arg12[%add3A_12, %dma_wait3A_42] : memref<10112x128xf32, #tpu.memory_space<vmem_shared>> -> memref<128x128xf32, #tpu.memory_space<vmem_shared>>
      tpu.wait_dma2 semaphore(%run_scoped3A : memref<!tpu.dma_semaphore, #tpu.memory_space<semaphore_mem>>) src(%arg8 : memref<128x128xf32, #tpu.memory_space<vmem>>) dst(%dma_wait3A_43 : memref<128x128xf32, #tpu.memory_space<vmem_shared>>)
      tpu.yield
    }) : () -> ()
    %mul3A_13 = arith.constant 632 : i32
    %mul3A_14 = arith.muli %arg1, %mul3A_13 : i32
    %add3A_15 = arith.constant 256 : i32
    %add3A_16 = arith.addi %mul3A_14, %add3A_15 : i32
    "tpu.region"() ({
      %run_scoped3A = tpu.sem_alloc : memref<!tpu.dma_semaphore, #tpu.memory_space<semaphore_mem>>
      %dma_start3A = arith.constant 0 : i32
      %dma_start3A_38 = tpu.memref_slice %arg12[%add3A_16, %dma_start3A] : memref<10112x128xf32, #tpu.memory_space<vmem_shared>> -> memref<128x128xf32, #tpu.memory_space<vmem_shared>>
      %dma_start3A_39 = arith.constant 0 : i32
      %dma_start3A_40 = tpu.memref_slice %arg12[%add3A_16, %dma_start3A_39] : memref<10112x128xf32, #tpu.memory_space<vmem_shared>> -> memref<128x128xf32, #tpu.memory_space<vmem_shared>>
      tpu.enqueue_dma source(%arg8 : memref<128x128xf32, #tpu.memory_space<vmem>>) target(%dma_start3A_40 : memref<128x128xf32, #tpu.memory_space<vmem_shared>>) target_semaphore(%run_scoped3A : memref<!tpu.dma_semaphore, #tpu.memory_space<semaphore_mem>>)
      %dma_wait3A = arith.constant 0 : i32
      %dma_wait3A_41 = tpu.memref_slice %arg12[%add3A_16, %dma_wait3A] : memref<10112x128xf32, #tpu.memory_space<vmem_shared>> -> memref<128x128xf32, #tpu.memory_space<vmem_shared>>
      %dma_wait3A_42 = arith.constant 0 : i32
      %dma_wait3A_43 = tpu.memref_slice %arg12[%add3A_16, %dma_wait3A_42] : memref<10112x128xf32, #tpu.memory_space<vmem_shared>> -> memref<128x128xf32, #tpu.memory_space<vmem_shared>>
      tpu.wait_dma2 semaphore(%run_scoped3A : memref<!tpu.dma_semaphore, #tpu.memory_space<semaphore_mem>>) src(%arg8 : memref<128x128xf32, #tpu.memory_space<vmem>>) dst(%dma_wait3A_43 : memref<128x128xf32, #tpu.memory_space<vmem_shared>>)
      tpu.yield
    }) : () -> ()
    %mul3A_17 = arith.constant 632 : i32
    %mul3A_18 = arith.muli %arg1, %mul3A_17 : i32
    %add3A_19 = arith.constant 384 : i32
    %add3A_20 = arith.addi %mul3A_18, %add3A_19 : i32
    "tpu.region"() ({
      %run_scoped3A = tpu.sem_alloc : memref<!tpu.dma_semaphore, #tpu.memory_space<semaphore_mem>>
      %dma_start3A = arith.constant 0 : i32
      %dma_start3A_38 = tpu.memref_slice %arg12[%add3A_20, %dma_start3A] : memref<10112x128xf32, #tpu.memory_space<vmem_shared>> -> memref<128x128xf32, #tpu.memory_space<vmem_shared>>
      %dma_start3A_39 = arith.constant 0 : i32
      %dma_start3A_40 = tpu.memref_slice %arg12[%add3A_20, %dma_start3A_39] : memref<10112x128xf32, #tpu.memory_space<vmem_shared>> -> memref<128x128xf32, #tpu.memory_space<vmem_shared>>
      tpu.enqueue_dma source(%arg8 : memref<128x128xf32, #tpu.memory_space<vmem>>) target(%dma_start3A_40 : memref<128x128xf32, #tpu.memory_space<vmem_shared>>) target_semaphore(%run_scoped3A : memref<!tpu.dma_semaphore, #tpu.memory_space<semaphore_mem>>)
      %dma_wait3A = arith.constant 0 : i32
      %dma_wait3A_41 = tpu.memref_slice %arg12[%add3A_20, %dma_wait3A] : memref<10112x128xf32, #tpu.memory_space<vmem_shared>> -> memref<128x128xf32, #tpu.memory_space<vmem_shared>>
      %dma_wait3A_42 = arith.constant 0 : i32
      %dma_wait3A_43 = tpu.memref_slice %arg12[%add3A_20, %dma_wait3A_42] : memref<10112x128xf32, #tpu.memory_space<vmem_shared>> -> memref<128x128xf32, #tpu.memory_space<vmem_shared>>
      tpu.wait_dma2 semaphore(%run_scoped3A : memref<!tpu.dma_semaphore, #tpu.memory_space<semaphore_mem>>) src(%arg8 : memref<128x128xf32, #tpu.memory_space<vmem>>) dst(%dma_wait3A_43 : memref<128x128xf32, #tpu.memory_space<vmem_shared>>)
      tpu.yield
    }) : () -> ()
    %mul3A_21 = arith.constant 632 : i32
    %mul3A_22 = arith.muli %arg1, %mul3A_21 : i32
    %add3A_23 = arith.constant 632 : i32
    %add3A_24 = arith.addi %mul3A_22, %add3A_23 : i32
    %sub3A = arith.constant 120 : i32
    %sub3A_25 = arith.subi %add3A_24, %sub3A : i32
    "tpu.region"() ({
      %run_scoped3A = tpu.sem_alloc : memref<!tpu.dma_semaphore, #tpu.memory_space<semaphore_mem>>
      %dma_start3A = arith.constant 0 : i32
      %dma_start3A_38 = arith.constant 0 : i32
      %dma_start3A_39 = tpu.memref_slice %arg8[%dma_start3A, %dma_start3A_38] : memref<128x128xf32, #tpu.memory_space<vmem>> -> memref<120x128xf32, #tpu.memory_space<vmem>>
      %dma_start3A_40 = arith.constant 0 : i32
      %dma_start3A_41 = tpu.memref_slice %arg12[%sub3A_25, %dma_start3A_40] : memref<10112x128xf32, #tpu.memory_space<vmem_shared>> -> memref<120x128xf32, #tpu.memory_space<vmem_shared>>
      %dma_start3A_42 = arith.constant 0 : i32
      %dma_start3A_43 = tpu.memref_slice %arg12[%sub3A_25, %dma_start3A_42] : memref<10112x128xf32, #tpu.memory_space<vmem_shared>> -> memref<120x128xf32, #tpu.memory_space<vmem_shared>>
      %dma_start3A_44 = arith.constant 0 : i32
      %dma_start3A_45 = arith.constant 0 : i32
      %dma_start3A_46 = tpu.memref_slice %arg8[%dma_start3A_44, %dma_start3A_45] : memref<128x128xf32, #tpu.memory_space<vmem>> -> memref<120x128xf32, #tpu.memory_space<vmem>>
      tpu.enqueue_dma source(%dma_start3A_46 : memref<120x128xf32, #tpu.memory_space<vmem>>) target(%dma_start3A_43 : memref<120x128xf32, #tpu.memory_space<vmem_shared>>) target_semaphore(%run_scoped3A : memref<!tpu.dma_semaphore, #tpu.memory_space<semaphore_mem>>)
      %dma_wait3A = arith.constant 0 : i32
      %dma_wait3A_47 = arith.constant 0 : i32
      %dma_wait3A_48 = tpu.memref_slice %arg8[%dma_wait3A, %dma_wait3A_47] : memref<128x128xf32, #tpu.memory_space<vmem>> -> memref<120x128xf32, #tpu.memory_space<vmem>>
      %dma_wait3A_49 = arith.constant 0 : i32
      %dma_wait3A_50 = tpu.memref_slice %arg12[%sub3A_25, %dma_wait3A_49] : memref<10112x128xf32, #tpu.memory_space<vmem_shared>> -> memref<120x128xf32, #tpu.memory_space<vmem_shared>>
      %dma_wait3A_51 = arith.constant 0 : i32
      %dma_wait3A_52 = tpu.memref_slice %arg12[%sub3A_25, %dma_wait3A_51] : memref<10112x128xf32, #tpu.memory_space<vmem_shared>> -> memref<120x128xf32, #tpu.memory_space<vmem_shared>>
      %dma_wait3A_53 = arith.constant 0 : i32
      %dma_wait3A_54 = arith.constant 0 : i32
      %dma_wait3A_55 = tpu.memref_slice %arg8[%dma_wait3A_53, %dma_wait3A_54] : memref<128x128xf32, #tpu.memory_space<vmem>> -> memref<120x128xf32, #tpu.memory_space<vmem>>
      tpu.wait_dma2 semaphore(%run_scoped3A : memref<!tpu.dma_semaphore, #tpu.memory_space<semaphore_mem>>) src(%dma_wait3A_55 : memref<120x128xf32, #tpu.memory_space<vmem>>) dst(%dma_wait3A_52 : memref<120x128xf32, #tpu.memory_space<vmem_shared>>)
      tpu.yield
    }) : () -> ()
    %barrier3A = arith.constant 0 : index
    tpu.barrier barrier_id(%barrier3A)
    %mul3A_26 = arith.constant 80 : i32
    %mul3A_27 = arith.muli %add3A, %mul3A_26 : i32
    %scan3A_28 = arith.constant 0 : i32
    %scan3A_29 = arith.constant 2 : i32
    %scan3A_30 = arith.addi %scan3A_28, %scan3A_29 : i32
    %scan3A_31 = arith.constant 1 : i32
    scf.for %scan3A_38 = %scan3A_28 to %scan3A_30 step %scan3A_31  : i32 {
      %mul3A_39 = arith.constant 1 : i32
      %mul3A_40 = arith.muli %scan3A_38, %mul3A_39 : i32
      %add3A_41 = arith.constant 0 : i32
      %add3A_42 = arith.addi %add3A_41, %mul3A_40 : i32
      %mul3A_43 = arith.constant 40 : i32
      %mul3A_44 = arith.muli %add3A_42, %mul3A_43 : i32
      %add3A_45 = arith.addi %mul3A_27, %mul3A_44 : i32
      "tpu.region"() ({
        %run_scoped3A = tpu.sem_alloc : memref<!tpu.dma_semaphore, #tpu.memory_space<semaphore_mem>>
        %dma_start3A_63 = arith.constant 0 : i32
        %dma_start3A_64 = arith.constant 0 : i32
        %dma_start3A_65 = tpu.memref_slice %arg6[%dma_start3A_63, %dma_start3A_64] : memref<48x128xi32, #tpu.memory_space<vmem>> -> memref<40x128xi32, #tpu.memory_space<vmem>>
        %dma_start3A_66 = arith.constant 0 : i32
        %dma_start3A_67 = tpu.memref_slice %arg3[%add3A_45, %dma_start3A_66] : memref<2560x128xi32, #tpu.memory_space<hbm>> -> memref<40x128xi32, #tpu.memory_space<hbm>>
        %dma_start3A_68 = arith.constant 0 : i32
        %dma_start3A_69 = arith.constant 0 : i32
        %dma_start3A_70 = tpu.memref_slice %arg6[%dma_start3A_68, %dma_start3A_69] : memref<48x128xi32, #tpu.memory_space<vmem>> -> memref<40x128xi32, #tpu.memory_space<vmem>>
        %dma_start3A_71 = arith.constant 0 : i32
        %dma_start3A_72 = tpu.memref_slice %arg3[%add3A_45, %dma_start3A_71] : memref<2560x128xi32, #tpu.memory_space<hbm>> -> memref<40x128xi32, #tpu.memory_space<hbm>>
        tpu.enqueue_dma source(%dma_start3A_72 : memref<40x128xi32, #tpu.memory_space<hbm>>) target(%dma_start3A_70 : memref<40x128xi32, #tpu.memory_space<vmem>>) target_semaphore(%run_scoped3A : memref<!tpu.dma_semaphore, #tpu.memory_space<semaphore_mem>>)
        %dma_wait3A_73 = arith.constant 0 : i32
        %dma_wait3A_74 = arith.constant 0 : i32
        %dma_wait3A_75 = tpu.memref_slice %arg6[%dma_wait3A_73, %dma_wait3A_74] : memref<48x128xi32, #tpu.memory_space<vmem>> -> memref<40x128xi32, #tpu.memory_space<vmem>>
        %dma_wait3A_76 = arith.constant 0 : i32
        %dma_wait3A_77 = tpu.memref_slice %arg3[%add3A_45, %dma_wait3A_76] : memref<2560x128xi32, #tpu.memory_space<hbm>> -> memref<40x128xi32, #tpu.memory_space<hbm>>
        %dma_wait3A_78 = arith.constant 0 : i32
        %dma_wait3A_79 = arith.constant 0 : i32
        %dma_wait3A_80 = tpu.memref_slice %arg6[%dma_wait3A_78, %dma_wait3A_79] : memref<48x128xi32, #tpu.memory_space<vmem>> -> memref<40x128xi32, #tpu.memory_space<vmem>>
        %dma_wait3A_81 = arith.constant 0 : i32
        %dma_wait3A_82 = tpu.memref_slice %arg3[%add3A_45, %dma_wait3A_81] : memref<2560x128xi32, #tpu.memory_space<hbm>> -> memref<40x128xi32, #tpu.memory_space<hbm>>
        tpu.wait_dma2 semaphore(%run_scoped3A : memref<!tpu.dma_semaphore, #tpu.memory_space<semaphore_mem>>) src(%dma_wait3A_82 : memref<40x128xi32, #tpu.memory_space<hbm>>) dst(%dma_wait3A_80 : memref<40x128xi32, #tpu.memory_space<vmem>>)
        tpu.yield
      }) : () -> ()
      "tpu.region"() ({
        %run_scoped3A = tpu.sem_alloc : memref<!tpu.dma_semaphore, #tpu.memory_space<semaphore_mem>>
        %dma_start3A_63 = arith.constant 40 : i32
        %dma_start3A_64 = arith.constant 0 : i32
        %dma_start3A_65 = tpu.memref_slice %arg6[%dma_start3A_63, %dma_start3A_64] : memref<48x128xi32, #tpu.memory_space<vmem>> -> memref<8x128xi32, #tpu.memory_space<vmem>>
        %dma_start3A_66 = arith.constant 0 : i32
        %dma_start3A_67 = tpu.memref_slice %arg3[%add3A_45, %dma_start3A_66] : memref<2560x128xi32, #tpu.memory_space<hbm>> -> memref<8x128xi32, #tpu.memory_space<hbm>>
        %dma_start3A_68 = arith.constant 40 : i32
        %dma_start3A_69 = arith.constant 0 : i32
        %dma_start3A_70 = tpu.memref_slice %arg6[%dma_start3A_68, %dma_start3A_69] : memref<48x128xi32, #tpu.memory_space<vmem>> -> memref<8x128xi32, #tpu.memory_space<vmem>>
        %dma_start3A_71 = arith.constant 0 : i32
        %dma_start3A_72 = tpu.memref_slice %arg3[%add3A_45, %dma_start3A_71] : memref<2560x128xi32, #tpu.memory_space<hbm>> -> memref<8x128xi32, #tpu.memory_space<hbm>>
        tpu.enqueue_dma source(%dma_start3A_72 : memref<8x128xi32, #tpu.memory_space<hbm>>) target(%dma_start3A_70 : memref<8x128xi32, #tpu.memory_space<vmem>>) target_semaphore(%run_scoped3A : memref<!tpu.dma_semaphore, #tpu.memory_space<semaphore_mem>>)
        %dma_wait3A_73 = arith.constant 40 : i32
        %dma_wait3A_74 = arith.constant 0 : i32
        %dma_wait3A_75 = tpu.memref_slice %arg6[%dma_wait3A_73, %dma_wait3A_74] : memref<48x128xi32, #tpu.memory_space<vmem>> -> memref<8x128xi32, #tpu.memory_space<vmem>>
        %dma_wait3A_76 = arith.constant 0 : i32
        %dma_wait3A_77 = tpu.memref_slice %arg3[%add3A_45, %dma_wait3A_76] : memref<2560x128xi32, #tpu.memory_space<hbm>> -> memref<8x128xi32, #tpu.memory_space<hbm>>
        %dma_wait3A_78 = arith.constant 40 : i32
        %dma_wait3A_79 = arith.constant 0 : i32
        %dma_wait3A_80 = tpu.memref_slice %arg6[%dma_wait3A_78, %dma_wait3A_79] : memref<48x128xi32, #tpu.memory_space<vmem>> -> memref<8x128xi32, #tpu.memory_space<vmem>>
        %dma_wait3A_81 = arith.constant 0 : i32
        %dma_wait3A_82 = tpu.memref_slice %arg3[%add3A_45, %dma_wait3A_81] : memref<2560x128xi32, #tpu.memory_space<hbm>> -> memref<8x128xi32, #tpu.memory_space<hbm>>
        tpu.wait_dma2 semaphore(%run_scoped3A : memref<!tpu.dma_semaphore, #tpu.memory_space<semaphore_mem>>) src(%dma_wait3A_82 : memref<8x128xi32, #tpu.memory_space<hbm>>) dst(%dma_wait3A_80 : memref<8x128xi32, #tpu.memory_space<vmem>>)
        tpu.yield
      }) : () -> ()
      "tpu.region"() ({
        %run_scoped3A = tpu.sem_alloc : memref<!tpu.dma_semaphore, #tpu.memory_space<semaphore_mem>>
        %dma_start3A_63 = arith.constant 0 : i32
        %dma_start3A_64 = tpu.memref_slice %arg4[%add3A_45, %dma_start3A_63] : memref<2560x128xi32, #tpu.memory_space<hbm>> -> memref<40x128xi32, #tpu.memory_space<hbm>>
        %dma_start3A_65 = arith.constant 0 : i32
        %dma_start3A_66 = tpu.memref_slice %arg4[%add3A_45, %dma_start3A_65] : memref<2560x128xi32, #tpu.memory_space<hbm>> -> memref<40x128xi32, #tpu.memory_space<hbm>>
        tpu.enqueue_dma source(%dma_start3A_66 : memref<40x128xi32, #tpu.memory_space<hbm>>) target(%arg7 : memref<40x128xi32, #tpu.memory_space<vmem>>) target_semaphore(%run_scoped3A : memref<!tpu.dma_semaphore, #tpu.memory_space<semaphore_mem>>)
        %dma_wait3A_67 = arith.constant 0 : i32
        %dma_wait3A_68 = tpu.memref_slice %arg4[%add3A_45, %dma_wait3A_67] : memref<2560x128xi32, #tpu.memory_space<hbm>> -> memref<40x128xi32, #tpu.memory_space<hbm>>
        %dma_wait3A_69 = arith.constant 0 : i32
        %dma_wait3A_70 = tpu.memref_slice %arg4[%add3A_45, %dma_wait3A_69] : memref<2560x128xi32, #tpu.memory_space<hbm>> -> memref<40x128xi32, #tpu.memory_space<hbm>>
        tpu.wait_dma2 semaphore(%run_scoped3A : memref<!tpu.dma_semaphore, #tpu.memory_space<semaphore_mem>>) src(%dma_wait3A_70 : memref<40x128xi32, #tpu.memory_space<hbm>>) dst(%arg7 : memref<40x128xi32, #tpu.memory_space<vmem>>)
        tpu.yield
      }) : () -> ()
      %dma_start3A = arith.constant 0 : i32
      %dma_start3A_46 = arith.constant 0 : i32
      %dma_start3A_47 = tpu.memref_slice %arg6[%dma_start3A, %dma_start3A_46] : memref<48x128xi32, #tpu.memory_space<vmem>> -> memref<1x128xi32, #tpu.memory_space<vmem>>
      %dma_start3A_48 = tpu.memref_squeeze %dma_start3A_47 : memref<1x128xi32, #tpu.memory_space<vmem>> -> memref<128xi32, #tpu.memory_space<vmem>>
      %dma_start3A_49 = arith.constant 0 : i32
      %dma_start3A_50 = arith.constant 0 : i32
      %dma_start3A_51 = tpu.memref_slice %arg2[%dma_start3A_49, %dma_start3A_50] : memref<10000x128xf32, #tpu.memory_space<hbm>> -> memref<10000x128xf32, #tpu.memory_space<hbm>>
      tpu.enqueue_indirect_dma source(%dma_start3A_51 : memref<10000x128xf32, #tpu.memory_space<hbm>>) target(%arg8 : memref<128x128xf32, #tpu.memory_space<vmem>>) offsets(%dma_start3A_48 : memref<128xi32, #tpu.memory_space<vmem>>) semaphore(%arg10 : memref<!tpu.dma_semaphore, #tpu.memory_space<semaphore_mem>>)
      %scan3A_52 = arith.constant 0 : i32
      %scan3A_53 = arith.constant 20 : i32
      %scan3A_54 = arith.addi %scan3A_52, %scan3A_53 : i32
      %scan3A_55 = arith.constant 1 : i32
      scf.for %scan3A_63 = %scan3A_52 to %scan3A_54 step %scan3A_55  : i32 {
        %mul3A_64 = arith.constant 1 : i32
        %mul3A_65 = arith.muli %scan3A_63, %mul3A_64 : i32
        %add3A_66 = arith.constant 0 : i32
        %add3A_67 = arith.addi %add3A_66, %mul3A_65 : i32
        %mul3A_68 = arith.constant 2 : i32
        %mul3A_69 = arith.muli %mul3A_68, %add3A_67 : i32
        %dma_wait3A_70 = arith.constant 0 : i32
        %dma_wait3A_71 = tpu.memref_slice %arg6[%mul3A_69, %dma_wait3A_70] : memref<48x128xi32, #tpu.memory_space<vmem>> -> memref<1x128xi32, #tpu.memory_space<vmem>>
        %dma_wait3A_72 = tpu.memref_squeeze %dma_wait3A_71 : memref<1x128xi32, #tpu.memory_space<vmem>> -> memref<128xi32, #tpu.memory_space<vmem>>
        %dma_wait3A_73 = arith.constant 0 : i32
        %dma_wait3A_74 = arith.constant 0 : i32
        %dma_wait3A_75 = tpu.memref_slice %arg2[%dma_wait3A_73, %dma_wait3A_74] : memref<10000x128xf32, #tpu.memory_space<hbm>> -> memref<10000x128xf32, #tpu.memory_space<hbm>>
        tpu.wait_indirect_dma semaphore(%arg10 : memref<!tpu.dma_semaphore, #tpu.memory_space<semaphore_mem>>) src(%dma_wait3A_75 : memref<10000x128xf32, #tpu.memory_space<hbm>>) dst(%arg8 : memref<128x128xf32, #tpu.memory_space<vmem>>)
        %add3A_76 = arith.constant 1 : i32
        %add3A_77 = arith.addi %mul3A_69, %add3A_76 : i32
        %dma_start3A_78 = arith.constant 0 : i32
        %dma_start3A_79 = tpu.memref_slice %arg6[%add3A_77, %dma_start3A_78] : memref<48x128xi32, #tpu.memory_space<vmem>> -> memref<1x128xi32, #tpu.memory_space<vmem>>
        %dma_start3A_80 = tpu.memref_squeeze %dma_start3A_79 : memref<1x128xi32, #tpu.memory_space<vmem>> -> memref<128xi32, #tpu.memory_space<vmem>>
        %dma_start3A_81 = arith.constant 0 : i32
        %dma_start3A_82 = arith.constant 0 : i32
        %dma_start3A_83 = tpu.memref_slice %arg2[%dma_start3A_81, %dma_start3A_82] : memref<10000x128xf32, #tpu.memory_space<hbm>> -> memref<10000x128xf32, #tpu.memory_space<hbm>>
        tpu.enqueue_indirect_dma source(%dma_start3A_83 : memref<10000x128xf32, #tpu.memory_space<hbm>>) target(%arg9 : memref<128x128xf32, #tpu.memory_space<vmem>>) offsets(%dma_start3A_80 : memref<128xi32, #tpu.memory_space<vmem>>) semaphore(%arg11 : memref<!tpu.dma_semaphore, #tpu.memory_space<semaphore_mem>>)
        "tpu.region"() ({
          %run_scoped3A = tpu.sem_alloc : memref<!tpu.dma_semaphore, #tpu.memory_space<semaphore_mem>>
          %dma_start3A_102 = arith.constant 0 : i32
          %dma_start3A_103 = tpu.memref_slice %arg7[%mul3A_69, %dma_start3A_102] : memref<40x128xi32, #tpu.memory_space<vmem>> -> memref<1x128xi32, #tpu.memory_space<vmem>>
          %dma_start3A_104 = tpu.memref_squeeze %dma_start3A_103 : memref<1x128xi32, #tpu.memory_space<vmem>> -> memref<128xi32, #tpu.memory_space<vmem>>
          %dma_start3A_105 = arith.constant 0 : i32
          %dma_start3A_106 = arith.constant 0 : i32
          %dma_start3A_107 = tpu.memref_slice %arg12[%dma_start3A_105, %dma_start3A_106] : memref<10112x128xf32, #tpu.memory_space<vmem_shared>> -> memref<10112x128xf32, #tpu.memory_space<vmem_shared>>
          tpu.enqueue_indirect_dma source(%arg8 : memref<128x128xf32, #tpu.memory_space<vmem>>) target(%dma_start3A_107 : memref<10112x128xf32, #tpu.memory_space<vmem_shared>>) offsets(%dma_start3A_104 : memref<128xi32, #tpu.memory_space<vmem>>) semaphore(%run_scoped3A : memref<!tpu.dma_semaphore, #tpu.memory_space<semaphore_mem>>) {add = true}
          %dma_wait3A_108 = arith.constant 0 : i32
          %dma_wait3A_109 = tpu.memref_slice %arg7[%mul3A_69, %dma_wait3A_108] : memref<40x128xi32, #tpu.memory_space<vmem>> -> memref<1x128xi32, #tpu.memory_space<vmem>>
          %dma_wait3A_110 = tpu.memref_squeeze %dma_wait3A_109 : memref<1x128xi32, #tpu.memory_space<vmem>> -> memref<128xi32, #tpu.memory_space<vmem>>
          %dma_wait3A_111 = arith.constant 0 : i32
          %dma_wait3A_112 = arith.constant 0 : i32
          %dma_wait3A_113 = tpu.memref_slice %arg12[%dma_wait3A_111, %dma_wait3A_112] : memref<10112x128xf32, #tpu.memory_space<vmem_shared>> -> memref<10112x128xf32, #tpu.memory_space<vmem_shared>>
          tpu.wait_indirect_dma semaphore(%run_scoped3A : memref<!tpu.dma_semaphore, #tpu.memory_space<semaphore_mem>>) src(%arg8 : memref<128x128xf32, #tpu.memory_space<vmem>>) dst(%dma_wait3A_113 : memref<10112x128xf32, #tpu.memory_space<vmem_shared>>)
          tpu.yield
        }) : () -> ()
        %add3A_84 = arith.constant 1 : i32
        %add3A_85 = arith.addi %mul3A_69, %add3A_84 : i32
        %dma_wait3A_86 = arith.constant 0 : i32
        %dma_wait3A_87 = tpu.memref_slice %arg6[%add3A_85, %dma_wait3A_86] : memref<48x128xi32, #tpu.memory_space<vmem>> -> memref<1x128xi32, #tpu.memory_space<vmem>>
        %dma_wait3A_88 = tpu.memref_squeeze %dma_wait3A_87 : memref<1x128xi32, #tpu.memory_space<vmem>> -> memref<128xi32, #tpu.memory_space<vmem>>
        %dma_wait3A_89 = arith.constant 0 : i32
        %dma_wait3A_90 = arith.constant 0 : i32
        %dma_wait3A_91 = tpu.memref_slice %arg2[%dma_wait3A_89, %dma_wait3A_90] : memref<10000x128xf32, #tpu.memory_space<hbm>> -> memref<10000x128xf32, #tpu.memory_space<hbm>>
        tpu.wait_indirect_dma semaphore(%arg11 : memref<!tpu.dma_semaphore, #tpu.memory_space<semaphore_mem>>) src(%dma_wait3A_91 : memref<10000x128xf32, #tpu.memory_space<hbm>>) dst(%arg9 : memref<128x128xf32, #tpu.memory_space<vmem>>)
        %add3A_92 = arith.constant 2 : i32
        %add3A_93 = arith.addi %mul3A_69, %add3A_92 : i32
        %dma_start3A_94 = arith.constant 0 : i32
        %dma_start3A_95 = tpu.memref_slice %arg6[%add3A_93, %dma_start3A_94] : memref<48x128xi32, #tpu.memory_space<vmem>> -> memref<1x128xi32, #tpu.memory_space<vmem>>
        %dma_start3A_96 = tpu.memref_squeeze %dma_start3A_95 : memref<1x128xi32, #tpu.memory_space<vmem>> -> memref<128xi32, #tpu.memory_space<vmem>>
        %dma_start3A_97 = arith.constant 0 : i32
        %dma_start3A_98 = arith.constant 0 : i32
        %dma_start3A_99 = tpu.memref_slice %arg2[%dma_start3A_97, %dma_start3A_98] : memref<10000x128xf32, #tpu.memory_space<hbm>> -> memref<10000x128xf32, #tpu.memory_space<hbm>>
        tpu.enqueue_indirect_dma source(%dma_start3A_99 : memref<10000x128xf32, #tpu.memory_space<hbm>>) target(%arg8 : memref<128x128xf32, #tpu.memory_space<vmem>>) offsets(%dma_start3A_96 : memref<128xi32, #tpu.memory_space<vmem>>) semaphore(%arg10 : memref<!tpu.dma_semaphore, #tpu.memory_space<semaphore_mem>>)
        %add3A_100 = arith.constant 1 : i32
        %add3A_101 = arith.addi %mul3A_69, %add3A_100 : i32
        "tpu.region"() ({
          %run_scoped3A = tpu.sem_alloc : memref<!tpu.dma_semaphore, #tpu.memory_space<semaphore_mem>>
          %dma_start3A_102 = arith.constant 0 : i32
          %dma_start3A_103 = tpu.memref_slice %arg7[%add3A_101, %dma_start3A_102] : memref<40x128xi32, #tpu.memory_space<vmem>> -> memref<1x128xi32, #tpu.memory_space<vmem>>
          %dma_start3A_104 = tpu.memref_squeeze %dma_start3A_103 : memref<1x128xi32, #tpu.memory_space<vmem>> -> memref<128xi32, #tpu.memory_space<vmem>>
          %dma_start3A_105 = arith.constant 0 : i32
          %dma_start3A_106 = arith.constant 0 : i32
          %dma_start3A_107 = tpu.memref_slice %arg12[%dma_start3A_105, %dma_start3A_106] : memref<10112x128xf32, #tpu.memory_space<vmem_shared>> -> memref<10112x128xf32, #tpu.memory_space<vmem_shared>>
          tpu.enqueue_indirect_dma source(%arg9 : memref<128x128xf32, #tpu.memory_space<vmem>>) target(%dma_start3A_107 : memref<10112x128xf32, #tpu.memory_space<vmem_shared>>) offsets(%dma_start3A_104 : memref<128xi32, #tpu.memory_space<vmem>>) semaphore(%run_scoped3A : memref<!tpu.dma_semaphore, #tpu.memory_space<semaphore_mem>>) {add = true}
          %dma_wait3A_108 = arith.constant 0 : i32
          %dma_wait3A_109 = tpu.memref_slice %arg7[%add3A_101, %dma_wait3A_108] : memref<40x128xi32, #tpu.memory_space<vmem>> -> memref<1x128xi32, #tpu.memory_space<vmem>>
          %dma_wait3A_110 = tpu.memref_squeeze %dma_wait3A_109 : memref<1x128xi32, #tpu.memory_space<vmem>> -> memref<128xi32, #tpu.memory_space<vmem>>
          %dma_wait3A_111 = arith.constant 0 : i32
          %dma_wait3A_112 = arith.constant 0 : i32
          %dma_wait3A_113 = tpu.memref_slice %arg12[%dma_wait3A_111, %dma_wait3A_112] : memref<10112x128xf32, #tpu.memory_space<vmem_shared>> -> memref<10112x128xf32, #tpu.memory_space<vmem_shared>>
          tpu.wait_indirect_dma semaphore(%run_scoped3A : memref<!tpu.dma_semaphore, #tpu.memory_space<semaphore_mem>>) src(%arg9 : memref<128x128xf32, #tpu.memory_space<vmem>>) dst(%dma_wait3A_113 : memref<10112x128xf32, #tpu.memory_space<vmem_shared>>)
          tpu.yield
        }) : () -> ()
      }
      %scan3A_56 = arith.constant 20 : i32
      %dma_wait3A = arith.constant 40 : i32
      %dma_wait3A_57 = arith.constant 0 : i32
      %dma_wait3A_58 = tpu.memref_slice %arg6[%dma_wait3A, %dma_wait3A_57] : memref<48x128xi32, #tpu.memory_space<vmem>> -> memref<1x128xi32, #tpu.memory_space<vmem>>
      %dma_wait3A_59 = tpu.memref_squeeze %dma_wait3A_58 : memref<1x128xi32, #tpu.memory_space<vmem>> -> memref<128xi32, #tpu.memory_space<vmem>>
      %dma_wait3A_60 = arith.constant 0 : i32
      %dma_wait3A_61 = arith.constant 0 : i32
      %dma_wait3A_62 = tpu.memref_slice %arg2[%dma_wait3A_60, %dma_wait3A_61] : memref<10000x128xf32, #tpu.memory_space<hbm>> -> memref<10000x128xf32, #tpu.memory_space<hbm>>
      tpu.wait_indirect_dma semaphore(%arg10 : memref<!tpu.dma_semaphore, #tpu.memory_space<semaphore_mem>>) src(%dma_wait3A_62 : memref<10000x128xf32, #tpu.memory_space<hbm>>) dst(%arg8 : memref<128x128xf32, #tpu.memory_space<vmem>>)
    }
    %scan3A_32 = arith.constant 2 : i32
    %barrier3A_33 = arith.constant 0 : index
    tpu.barrier barrier_id(%barrier3A_33)
    %mul3A_34 = arith.constant 632 : i32
    %mul3A_35 = arith.muli %arg1, %mul3A_34 : i32
    %mul3A_36 = arith.constant 632 : i32
    %mul3A_37 = arith.muli %arg1, %mul3A_36 : i32
    "tpu.region"() ({
      %run_scoped3A = tpu.sem_alloc : memref<!tpu.dma_semaphore, #tpu.memory_space<semaphore_mem>>
      %dma_start3A = arith.constant 0 : i32
      %dma_start3A_38 = tpu.memref_slice %arg5[%arg0, %mul3A_37, %dma_start3A] : memref<2x10112x128xf32, #tpu.memory_space<hbm>> -> memref<1x632x128xf32, #tpu.memory_space<hbm>>
      %dma_start3A_39 = tpu.memref_squeeze %dma_start3A_38 : memref<1x632x128xf32, #tpu.memory_space<hbm>> -> memref<632x128xf32, #tpu.memory_space<hbm>>
      %dma_start3A_40 = arith.constant 0 : i32
      %dma_start3A_41 = tpu.memref_slice %arg12[%mul3A_35, %dma_start3A_40] : memref<10112x128xf32, #tpu.memory_space<vmem_shared>> -> memref<632x128xf32, #tpu.memory_space<vmem_shared>>
      tpu.enqueue_dma source(%dma_start3A_41 : memref<632x128xf32, #tpu.memory_space<vmem_shared>>) target(%dma_start3A_39 : memref<632x128xf32, #tpu.memory_space<hbm>>) target_semaphore(%run_scoped3A : memref<!tpu.dma_semaphore, #tpu.memory_space<semaphore_mem>>)
      %dma_wait3A = arith.constant 0 : i32
      %dma_wait3A_42 = tpu.memref_slice %arg5[%arg0, %mul3A_37, %dma_wait3A] : memref<2x10112x128xf32, #tpu.memory_space<hbm>> -> memref<1x632x128xf32, #tpu.memory_space<hbm>>
      %dma_wait3A_43 = tpu.memref_squeeze %dma_wait3A_42 : memref<1x632x128xf32, #tpu.memory_space<hbm>> -> memref<632x128xf32, #tpu.memory_space<hbm>>
      %dma_wait3A_44 = arith.constant 0 : i32
      %dma_wait3A_45 = tpu.memref_slice %arg12[%mul3A_35, %dma_wait3A_44] : memref<10112x128xf32, #tpu.memory_space<vmem_shared>> -> memref<632x128xf32, #tpu.memory_space<vmem_shared>>
      tpu.wait_dma2 semaphore(%run_scoped3A : memref<!tpu.dma_semaphore, #tpu.memory_space<semaphore_mem>>) src(%dma_wait3A_45 : memref<632x128xf32, #tpu.memory_space<vmem_shared>>) dst(%dma_wait3A_43 : memref<632x128xf32, #tpu.memory_space<hbm>>)
      tpu.yield
    }) : () -> ()
    return
  }
}

module attributes {stable_mosaic.version = 14 : i64} {
  func.func @body(%arg0: i32, %arg1: memref<1000x256xf32, #tpu.memory_space<vmem>>, %arg2: memref<1000x128xf32, #tpu.memory_space<vmem>>, %arg3: memref<1000x512xf32, #tpu.memory_space<vmem>>, %arg4: memref<1000x256xf32, #tpu.memory_space<vmem>>, %arg5: memref<1000x128xf32, #tpu.memory_space<vmem>>, %arg6: memref<256x128xf32, #tpu.memory_space<vmem>>, %arg7: memref<128x128xf32, #tpu.memory_space<vmem>>, %arg8: memref<512x128xf32, #tpu.memory_space<vmem>>, %arg9: memref<256x128xf32, #tpu.memory_space<vmem>>, %arg10: memref<128x128xf32, #tpu.memory_space<vmem>>, %arg11: memref<1x128xf32, #tpu.memory_space<vmem>>, %arg12: memref<1x128xf32, #tpu.memory_space<vmem>>, %arg13: memref<1x128xf32, #tpu.memory_space<vmem>>, %arg14: memref<1x128xf32, #tpu.memory_space<vmem>>, %arg15: memref<1x128xf32, #tpu.memory_space<vmem>>, %arg16: memref<1x5xf32, #tpu.memory_space<vmem>>, %arg17: memref<1000x128xf32, #tpu.memory_space<vmem>>) attributes {dimension_semantics = [#tpu.dimension_semantics<arbitrary>], iteration_bounds = array<i64: 10>, scalar_prefetch = 0 : i64, scratch_operands = 0 : i64, tpu.core_type = #tpu.core_type<tc>, window_params = [{transform_indices = @transform_0, window_bounds = array<i64: 1000, 256>}, {transform_indices = @transform_1, window_bounds = array<i64: 1000, 128>}, {transform_indices = @transform_2, window_bounds = array<i64: 1000, 512>}, {transform_indices = @transform_3, window_bounds = array<i64: 1000, 256>}, {transform_indices = @transform_4, window_bounds = array<i64: 1000, 128>}, {pipeline_mode = #tpu.pipeline_mode<synchronous>, transform_indices = @transform_5, window_bounds = array<i64: 256, 128>}, {pipeline_mode = #tpu.pipeline_mode<synchronous>, transform_indices = @transform_6, window_bounds = array<i64: 128, 128>}, {pipeline_mode = #tpu.pipeline_mode<synchronous>, transform_indices = @transform_7, window_bounds = array<i64: 512, 128>}, {pipeline_mode = #tpu.pipeline_mode<synchronous>, transform_indices = @transform_8, window_bounds = array<i64: 256, 128>}, {pipeline_mode = #tpu.pipeline_mode<synchronous>, transform_indices = @transform_9, window_bounds = array<i64: 128, 128>}, {pipeline_mode = #tpu.pipeline_mode<synchronous>, transform_indices = @transform_10, window_bounds = array<i64: 1, 128>}, {pipeline_mode = #tpu.pipeline_mode<synchronous>, transform_indices = @transform_11, window_bounds = array<i64: 1, 128>}, {pipeline_mode = #tpu.pipeline_mode<synchronous>, transform_indices = @transform_12, window_bounds = array<i64: 1, 128>}, {pipeline_mode = #tpu.pipeline_mode<synchronous>, transform_indices = @transform_13, window_bounds = array<i64: 1, 128>}, {pipeline_mode = #tpu.pipeline_mode<synchronous>, transform_indices = @transform_14, window_bounds = array<i64: 1, 128>}, {pipeline_mode = #tpu.pipeline_mode<synchronous>, transform_indices = @transform_15, window_bounds = array<i64: 1, 5>}, {transform_indices = @transform_16, window_bounds = array<i64: 1000, 128>}]} {
    %get3A = arith.constant 0 : index
    %get3A_0 = arith.constant 0 : index
    %get3A_1 = vector.load %arg16[%get3A, %get3A_0] : memref<1x5xf32, #tpu.memory_space<vmem>>, vector<1x5xf32>
    %get3A_2 = vector.shape_cast %get3A_1 : vector<1x5xf32> to vector<5xf32>
    %get3A_3 = arith.constant 0 : index
    %get3A_4 = arith.constant 0 : index
    %get3A_5 = vector.load %arg1[%get3A_3, %get3A_4] : memref<1000x256xf32, #tpu.memory_space<vmem>>, vector<1000x256xf32>
    %get3A_6 = arith.constant 0 : index
    %get3A_7 = arith.constant 0 : index
    %get3A_8 = vector.load %arg6[%get3A_6, %get3A_7] : memref<256x128xf32, #tpu.memory_space<vmem>>, vector<256x128xf32>
    %dot_general3A = arith.constant dense<0.000000e+00> : vector<1000x128xf32>
    %dot_general3A_9 = tpu.matmul %get3A_5, %get3A_8, %dot_general3A {dimension_numbers = #tpu.dot_dimension_numbers<[1], [0], [0], [1], [0, 0, 1, 1], [], []>, transpose_lhs_hint = false} : vector<1000x256xf32>, vector<256x128xf32>, vector<1000x128xf32> -> vector<1000x128xf32>
    %get3A_10 = arith.constant 0 : index
    %get3A_11 = arith.constant 0 : index
    %get3A_12 = vector.load %arg11[%get3A_10, %get3A_11] : memref<1x128xf32, #tpu.memory_space<vmem>>, vector<1x128xf32>
    %add3A = vector.broadcast %get3A_12 : vector<1x128xf32> to vector<1000x128xf32>
    %add3A_13 = arith.addf %dot_general3A_9, %add3A : vector<1000x128xf32>
    %slice3A = vector.extract_strided_slice %get3A_2 {offsets = [0], sizes = [1], strides = [1]} : vector<5xf32> to vector<1xf32>
    %squeeze3A = vector.extract %slice3A[0] : f32 from vector<1xf32>
    %mul3A = vector.broadcast %squeeze3A : f32 to vector<1000x128xf32>
    %mul3A_14 = arith.mulf %add3A_13, %mul3A : vector<1000x128xf32>
    %get3A_15 = arith.constant 0 : index
    %get3A_16 = arith.constant 0 : index
    %get3A_17 = vector.load %arg2[%get3A_15, %get3A_16] : memref<1000x128xf32, #tpu.memory_space<vmem>>, vector<1000x128xf32>
    %get3A_18 = arith.constant 0 : index
    %get3A_19 = arith.constant 0 : index
    %get3A_20 = vector.load %arg7[%get3A_18, %get3A_19] : memref<128x128xf32, #tpu.memory_space<vmem>>, vector<128x128xf32>
    %dot_general3A_21 = arith.constant dense<0.000000e+00> : vector<1000x128xf32>
    %dot_general3A_22 = tpu.matmul %get3A_17, %get3A_20, %dot_general3A_21 {dimension_numbers = #tpu.dot_dimension_numbers<[1], [0], [0], [1], [0, 0, 1, 1], [], []>, transpose_lhs_hint = false} : vector<1000x128xf32>, vector<128x128xf32>, vector<1000x128xf32> -> vector<1000x128xf32>
    %get3A_23 = arith.constant 0 : index
    %get3A_24 = arith.constant 0 : index
    %get3A_25 = vector.load %arg12[%get3A_23, %get3A_24] : memref<1x128xf32, #tpu.memory_space<vmem>>, vector<1x128xf32>
    %add3A_26 = vector.broadcast %get3A_25 : vector<1x128xf32> to vector<1000x128xf32>
    %add3A_27 = arith.addf %dot_general3A_22, %add3A_26 : vector<1000x128xf32>
    %slice3A_28 = vector.extract_strided_slice %get3A_2 {offsets = [1], sizes = [1], strides = [1]} : vector<5xf32> to vector<1xf32>
    %squeeze3A_29 = vector.extract %slice3A_28[0] : f32 from vector<1xf32>
    %mul3A_30 = vector.broadcast %squeeze3A_29 : f32 to vector<1000x128xf32>
    %mul3A_31 = arith.mulf %add3A_27, %mul3A_30 : vector<1000x128xf32>
    %add3A_32 = arith.addf %mul3A_14, %mul3A_31 : vector<1000x128xf32>
    %get3A_33 = arith.constant 0 : index
    %get3A_34 = arith.constant 0 : index
    %get3A_35 = vector.load %arg3[%get3A_33, %get3A_34] : memref<1000x512xf32, #tpu.memory_space<vmem>>, vector<1000x512xf32>
    %get3A_36 = arith.constant 0 : index
    %get3A_37 = arith.constant 0 : index
    %get3A_38 = vector.load %arg8[%get3A_36, %get3A_37] : memref<512x128xf32, #tpu.memory_space<vmem>>, vector<512x128xf32>
    %dot_general3A_39 = arith.constant dense<0.000000e+00> : vector<1000x128xf32>
    %dot_general3A_40 = tpu.matmul %get3A_35, %get3A_38, %dot_general3A_39 {dimension_numbers = #tpu.dot_dimension_numbers<[1], [0], [0], [1], [0, 0, 1, 1], [], []>, transpose_lhs_hint = false} : vector<1000x512xf32>, vector<512x128xf32>, vector<1000x128xf32> -> vector<1000x128xf32>
    %get3A_41 = arith.constant 0 : index
    %get3A_42 = arith.constant 0 : index
    %get3A_43 = vector.load %arg13[%get3A_41, %get3A_42] : memref<1x128xf32, #tpu.memory_space<vmem>>, vector<1x128xf32>
    %add3A_44 = vector.broadcast %get3A_43 : vector<1x128xf32> to vector<1000x128xf32>
    %add3A_45 = arith.addf %dot_general3A_40, %add3A_44 : vector<1000x128xf32>
    %slice3A_46 = vector.extract_strided_slice %get3A_2 {offsets = [2], sizes = [1], strides = [1]} : vector<5xf32> to vector<1xf32>
    %squeeze3A_47 = vector.extract %slice3A_46[0] : f32 from vector<1xf32>
    %mul3A_48 = vector.broadcast %squeeze3A_47 : f32 to vector<1000x128xf32>
    %mul3A_49 = arith.mulf %add3A_45, %mul3A_48 : vector<1000x128xf32>
    %add3A_50 = arith.addf %add3A_32, %mul3A_49 : vector<1000x128xf32>
    %get3A_51 = arith.constant 0 : index
    %get3A_52 = arith.constant 0 : index
    %get3A_53 = vector.load %arg4[%get3A_51, %get3A_52] : memref<1000x256xf32, #tpu.memory_space<vmem>>, vector<1000x256xf32>
    %get3A_54 = arith.constant 0 : index
    %get3A_55 = arith.constant 0 : index
    %get3A_56 = vector.load %arg9[%get3A_54, %get3A_55] : memref<256x128xf32, #tpu.memory_space<vmem>>, vector<256x128xf32>
    %dot_general3A_57 = arith.constant dense<0.000000e+00> : vector<1000x128xf32>
    %dot_general3A_58 = tpu.matmul %get3A_53, %get3A_56, %dot_general3A_57 {dimension_numbers = #tpu.dot_dimension_numbers<[1], [0], [0], [1], [0, 0, 1, 1], [], []>, transpose_lhs_hint = false} : vector<1000x256xf32>, vector<256x128xf32>, vector<1000x128xf32> -> vector<1000x128xf32>
    %get3A_59 = arith.constant 0 : index
    %get3A_60 = arith.constant 0 : index
    %get3A_61 = vector.load %arg14[%get3A_59, %get3A_60] : memref<1x128xf32, #tpu.memory_space<vmem>>, vector<1x128xf32>
    %add3A_62 = vector.broadcast %get3A_61 : vector<1x128xf32> to vector<1000x128xf32>
    %add3A_63 = arith.addf %dot_general3A_58, %add3A_62 : vector<1000x128xf32>
    %slice3A_64 = vector.extract_strided_slice %get3A_2 {offsets = [3], sizes = [1], strides = [1]} : vector<5xf32> to vector<1xf32>
    %squeeze3A_65 = vector.extract %slice3A_64[0] : f32 from vector<1xf32>
    %mul3A_66 = vector.broadcast %squeeze3A_65 : f32 to vector<1000x128xf32>
    %mul3A_67 = arith.mulf %add3A_63, %mul3A_66 : vector<1000x128xf32>
    %add3A_68 = arith.addf %add3A_50, %mul3A_67 : vector<1000x128xf32>
    %get3A_69 = arith.constant 0 : index
    %get3A_70 = arith.constant 0 : index
    %get3A_71 = vector.load %arg5[%get3A_69, %get3A_70] : memref<1000x128xf32, #tpu.memory_space<vmem>>, vector<1000x128xf32>
    %get3A_72 = arith.constant 0 : index
    %get3A_73 = arith.constant 0 : index
    %get3A_74 = vector.load %arg10[%get3A_72, %get3A_73] : memref<128x128xf32, #tpu.memory_space<vmem>>, vector<128x128xf32>
    %dot_general3A_75 = arith.constant dense<0.000000e+00> : vector<1000x128xf32>
    %dot_general3A_76 = tpu.matmul %get3A_71, %get3A_74, %dot_general3A_75 {dimension_numbers = #tpu.dot_dimension_numbers<[1], [0], [0], [1], [0, 0, 1, 1], [], []>, transpose_lhs_hint = false} : vector<1000x128xf32>, vector<128x128xf32>, vector<1000x128xf32> -> vector<1000x128xf32>
    %get3A_77 = arith.constant 0 : index
    %get3A_78 = arith.constant 0 : index
    %get3A_79 = vector.load %arg15[%get3A_77, %get3A_78] : memref<1x128xf32, #tpu.memory_space<vmem>>, vector<1x128xf32>
    %add3A_80 = vector.broadcast %get3A_79 : vector<1x128xf32> to vector<1000x128xf32>
    %add3A_81 = arith.addf %dot_general3A_76, %add3A_80 : vector<1000x128xf32>
    %slice3A_82 = vector.extract_strided_slice %get3A_2 {offsets = [4], sizes = [1], strides = [1]} : vector<5xf32> to vector<1xf32>
    %squeeze3A_83 = vector.extract %slice3A_82[0] : f32 from vector<1xf32>
    %mul3A_84 = vector.broadcast %squeeze3A_83 : f32 to vector<1000x128xf32>
    %mul3A_85 = arith.mulf %add3A_81, %mul3A_84 : vector<1000x128xf32>
    %add3A_86 = arith.addf %add3A_68, %mul3A_85 : vector<1000x128xf32>
    %swap3A = arith.constant 0 : index
    %swap3A_87 = arith.constant 0 : index
    %swap3A_88 = vector.load %arg17[%swap3A, %swap3A_87] : memref<1000x128xf32, #tpu.memory_space<vmem>>, vector<1000x128xf32>
    tpu.vector_store %arg17[%swap3A, %swap3A_87], %add3A_86 {strides = array<i32>} : memref<1000x128xf32, #tpu.memory_space<vmem>>, vector<1000x128xf32>,
    return
  }
  func.func @transform_0(%arg0: i32) -> (i32, i32) {
    %c0_i32 = arith.constant 0 : i32
    %c0_i32_0 = arith.constant 0 : i32
    return %arg0, %c0_i32 : i32, i32
  }
  func.func @transform_1(%arg0: i32) -> (i32, i32) {
    %c0_i32 = arith.constant 0 : i32
    %c0_i32_0 = arith.constant 0 : i32
    return %arg0, %c0_i32 : i32, i32
  }
  func.func @transform_2(%arg0: i32) -> (i32, i32) {
    %c0_i32 = arith.constant 0 : i32
    %c0_i32_0 = arith.constant 0 : i32
    return %arg0, %c0_i32 : i32, i32
  }
  func.func @transform_3(%arg0: i32) -> (i32, i32) {
    %c0_i32 = arith.constant 0 : i32
    %c0_i32_0 = arith.constant 0 : i32
    return %arg0, %c0_i32 : i32, i32
  }
  func.func @transform_4(%arg0: i32) -> (i32, i32) {
    %c0_i32 = arith.constant 0 : i32
    %c0_i32_0 = arith.constant 0 : i32
    return %arg0, %c0_i32 : i32, i32
  }
  func.func @transform_5(%arg0: i32) -> (i32, i32) {
    %c0_i32 = arith.constant 0 : i32
    %c0_i32_0 = arith.constant 0 : i32
    %c0_i32_1 = arith.constant 0 : i32
    return %c0_i32, %c0_i32_0 : i32, i32
  }
  func.func @transform_6(%arg0: i32) -> (i32, i32) {
    %c0_i32 = arith.constant 0 : i32
    %c0_i32_0 = arith.constant 0 : i32
    %c0_i32_1 = arith.constant 0 : i32
    return %c0_i32, %c0_i32_0 : i32, i32
  }
  func.func @transform_7(%arg0: i32) -> (i32, i32) {
    %c0_i32 = arith.constant 0 : i32
    %c0_i32_0 = arith.constant 0 : i32
    %c0_i32_1 = arith.constant 0 : i32
    return %c0_i32, %c0_i32_0 : i32, i32
  }
  func.func @transform_8(%arg0: i32) -> (i32, i32) {
    %c0_i32 = arith.constant 0 : i32
    %c0_i32_0 = arith.constant 0 : i32
    %c0_i32_1 = arith.constant 0 : i32
    return %c0_i32, %c0_i32_0 : i32, i32
  }
  func.func @transform_9(%arg0: i32) -> (i32, i32) {
    %c0_i32 = arith.constant 0 : i32
    %c0_i32_0 = arith.constant 0 : i32
    %c0_i32_1 = arith.constant 0 : i32
    return %c0_i32, %c0_i32_0 : i32, i32
  }
  func.func @transform_10(%arg0: i32) -> (i32, i32) {
    %c0_i32 = arith.constant 0 : i32
    %c0_i32_0 = arith.constant 0 : i32
    %c0_i32_1 = arith.constant 0 : i32
    return %c0_i32, %c0_i32_0 : i32, i32
  }
  func.func @transform_11(%arg0: i32) -> (i32, i32) {
    %c0_i32 = arith.constant 0 : i32
    %c0_i32_0 = arith.constant 0 : i32
    %c0_i32_1 = arith.constant 0 : i32
    return %c0_i32, %c0_i32_0 : i32, i32
  }
  func.func @transform_12(%arg0: i32) -> (i32, i32) {
    %c0_i32 = arith.constant 0 : i32
    %c0_i32_0 = arith.constant 0 : i32
    %c0_i32_1 = arith.constant 0 : i32
    return %c0_i32, %c0_i32_0 : i32, i32
  }
  func.func @transform_13(%arg0: i32) -> (i32, i32) {
    %c0_i32 = arith.constant 0 : i32
    %c0_i32_0 = arith.constant 0 : i32
    %c0_i32_1 = arith.constant 0 : i32
    return %c0_i32, %c0_i32_0 : i32, i32
  }
  func.func @transform_14(%arg0: i32) -> (i32, i32) {
    %c0_i32 = arith.constant 0 : i32
    %c0_i32_0 = arith.constant 0 : i32
    %c0_i32_1 = arith.constant 0 : i32
    return %c0_i32, %c0_i32_0 : i32, i32
  }
  func.func @transform_15(%arg0: i32) -> (i32, i32) {
    %c0_i32 = arith.constant 0 : i32
    %c0_i32_0 = arith.constant 0 : i32
    %c0_i32_1 = arith.constant 0 : i32
    return %c0_i32, %c0_i32_0 : i32, i32
  }
  func.func @transform_16(%arg0: i32) -> (i32, i32) {
    %c0_i32 = arith.constant 0 : i32
    %c0_i32_0 = arith.constant 0 : i32
    return %arg0, %c0_i32 : i32, i32
  }
}

module attributes {stable_mosaic.version = 14 : i64} {
  func.func @body(%arg0: i32, %arg1: memref<1000x128xf32, #tpu.memory_space<vmem>>, %arg2: memref<1000x1xf32, #tpu.memory_space<vmem>>, %arg3: memref<128x128xf32, #tpu.memory_space<vmem>>, %arg4: memref<1000x128xf32, #tpu.memory_space<vmem>>) attributes {dimension_semantics = [#tpu.dimension_semantics<arbitrary>], iteration_bounds = array<i64: 10>, scalar_prefetch = 0 : i64, scratch_operands = 0 : i64, tpu.core_type = #tpu.core_type<tc>, window_params = [{transform_indices = @transform_0, window_bounds = array<i64: 1000, 128>}, {transform_indices = @transform_1, window_bounds = array<i64: 1000, 1>}, {pipeline_mode = #tpu.pipeline_mode<synchronous>, transform_indices = @transform_2, window_bounds = array<i64: 128, 128>}, {transform_indices = @transform_3, window_bounds = array<i64: 1000, 128>}]} {
    %get3A = arith.constant 0 : index
    %get3A_0 = arith.constant 0 : index
    %get3A_1 = vector.load %arg1[%get3A, %get3A_0] : memref<1000x128xf32, #tpu.memory_space<vmem>>, vector<1000x128xf32>
    %get3A_2 = arith.constant 0 : index
    %get3A_3 = arith.constant 0 : index
    %get3A_4 = vector.load %arg2[%get3A_2, %get3A_3] : memref<1000x1xf32, #tpu.memory_space<vmem>>, vector<1000x1xf32>
    %max3A = arith.constant 1.000000e+00 : f32
    %max3A_5 = vector.broadcast %max3A : f32 to vector<1000x1xf32>
    %max3A_6 = arith.maximumf %get3A_4, %max3A_5 : vector<1000x1xf32>
    %rsqrt3A = math.rsqrt %max3A_6 : vector<1000x1xf32>
    %mul3A = vector.broadcast %rsqrt3A : vector<1000x1xf32> to vector<1000x128xf32>
    %mul3A_7 = arith.mulf %get3A_1, %mul3A : vector<1000x128xf32>
    %get3A_8 = arith.constant 0 : index
    %get3A_9 = arith.constant 0 : index
    %get3A_10 = vector.load %arg3[%get3A_8, %get3A_9] : memref<128x128xf32, #tpu.memory_space<vmem>>, vector<128x128xf32>
    %dot_general3A = arith.constant dense<0.000000e+00> : vector<1000x128xf32>
    %dot_general3A_11 = tpu.matmul %mul3A_7, %get3A_10, %dot_general3A {dimension_numbers = #tpu.dot_dimension_numbers<[1], [0], [0], [1], [0, 0, 1, 1], [], []>, transpose_lhs_hint = false} : vector<1000x128xf32>, vector<128x128xf32>, vector<1000x128xf32> -> vector<1000x128xf32>
    %swap3A = arith.constant 0 : index
    %swap3A_12 = arith.constant 0 : index
    %swap3A_13 = vector.load %arg4[%swap3A, %swap3A_12] : memref<1000x128xf32, #tpu.memory_space<vmem>>, vector<1000x128xf32>
    tpu.vector_store %arg4[%swap3A, %swap3A_12], %dot_general3A_11 {strides = array<i32>} : memref<1000x128xf32, #tpu.memory_space<vmem>>, vector<1000x128xf32>,
    return
  }
  func.func @transform_0(%arg0: i32) -> (i32, i32) {
    %c0_i32 = arith.constant 0 : i32
    %c0_i32_0 = arith.constant 0 : i32
    return %arg0, %c0_i32 : i32, i32
  }
  func.func @transform_1(%arg0: i32) -> (i32, i32) {
    %c0_i32 = arith.constant 0 : i32
    %c0_i32_0 = arith.constant 0 : i32
    return %arg0, %c0_i32 : i32, i32
  }
  func.func @transform_2(%arg0: i32) -> (i32, i32) {
    %c0_i32 = arith.constant 0 : i32
    %c0_i32_0 = arith.constant 0 : i32
    %c0_i32_1 = arith.constant 0 : i32
    return %c0_i32, %c0_i32_0 : i32, i32
  }
  func.func @transform_3(%arg0: i32) -> (i32, i32) {
    %c0_i32 = arith.constant 0 : i32
    %c0_i32_0 = arith.constant 0 : i32
    return %arg0, %c0_i32 : i32, i32
  }
}

module attributes {stable_mosaic.version = 14 : i64} {
  func.func @body(%arg0: i32, %arg1: memref<1x1000x128xf32, #tpu.memory_space<vmem>>, %arg2: memref<1x1000x128xf32, #tpu.memory_space<vmem>>, %arg3: memref<1000x1xf32, #tpu.memory_space<vmem>>, %arg4: memref<1000x1xf32, #tpu.memory_space<vmem>>, %arg5: memref<1x128xf32, #tpu.memory_space<vmem>>, %arg6: memref<128x128xf32, #tpu.memory_space<vmem>>, %arg7: memref<1000x128xf32, #tpu.memory_space<vmem>>) attributes {dimension_semantics = [#tpu.dimension_semantics<arbitrary>], iteration_bounds = array<i64: 10>, scalar_prefetch = 0 : i64, scratch_operands = 0 : i64, tpu.core_type = #tpu.core_type<tc>, window_params = [{transform_indices = @transform_0, window_bounds = array<i64: 1, 1000, 128>}, {transform_indices = @transform_1, window_bounds = array<i64: 1, 1000, 128>}, {transform_indices = @transform_2, window_bounds = array<i64: 1000, 1>}, {transform_indices = @transform_3, window_bounds = array<i64: 1000, 1>}, {pipeline_mode = #tpu.pipeline_mode<synchronous>, transform_indices = @transform_4, window_bounds = array<i64: 1, 128>}, {pipeline_mode = #tpu.pipeline_mode<synchronous>, transform_indices = @transform_5, window_bounds = array<i64: 128, 128>}, {transform_indices = @transform_6, window_bounds = array<i64: 1000, 128>}]} {
    %get3A = arith.constant 0 : index
    %get3A_0 = arith.constant 0 : index
    %get3A_1 = arith.constant 0 : index
    %get3A_2 = vector.load %arg1[%get3A, %get3A_0, %get3A_1] : memref<1x1000x128xf32, #tpu.memory_space<vmem>>, vector<1x1000x128xf32>
    %get3A_3 = vector.shape_cast %get3A_2 : vector<1x1000x128xf32> to vector<1000x128xf32>
    %get3A_4 = arith.constant 0 : index
    %get3A_5 = arith.constant 0 : index
    %get3A_6 = arith.constant 0 : index
    %get3A_7 = vector.load %arg2[%get3A_4, %get3A_5, %get3A_6] : memref<1x1000x128xf32, #tpu.memory_space<vmem>>, vector<1x1000x128xf32>
    %get3A_8 = vector.shape_cast %get3A_7 : vector<1x1000x128xf32> to vector<1000x128xf32>
    %add3A = arith.addf %get3A_3, %get3A_8 : vector<1000x128xf32>
    %get3A_9 = arith.constant 0 : index
    %get3A_10 = arith.constant 0 : index
    %get3A_11 = vector.load %arg3[%get3A_9, %get3A_10] : memref<1000x1xf32, #tpu.memory_space<vmem>>, vector<1000x1xf32>
    %max3A = arith.constant 1.000000e+00 : f32
    %max3A_12 = vector.broadcast %max3A : f32 to vector<1000x1xf32>
    %max3A_13 = arith.maximumf %get3A_11, %max3A_12 : vector<1000x1xf32>
    %rsqrt3A = math.rsqrt %max3A_13 : vector<1000x1xf32>
    %mul3A = vector.broadcast %rsqrt3A : vector<1000x1xf32> to vector<1000x128xf32>
    %mul3A_14 = arith.mulf %add3A, %mul3A : vector<1000x128xf32>
    %get3A_15 = arith.constant 0 : index
    %get3A_16 = arith.constant 0 : index
    %get3A_17 = vector.load %arg5[%get3A_15, %get3A_16] : memref<1x128xf32, #tpu.memory_space<vmem>>, vector<1x128xf32>
    %add3A_18 = vector.broadcast %get3A_17 : vector<1x128xf32> to vector<1000x128xf32>
    %add3A_19 = arith.addf %mul3A_14, %add3A_18 : vector<1000x128xf32>
    %max3A_20 = arith.constant 0.000000e+00 : f32
    %max3A_21 = vector.broadcast %max3A_20 : f32 to vector<1000x128xf32>
    %max3A_22 = arith.maximumf %add3A_19, %max3A_21 : vector<1000x128xf32>
    %get3A_23 = arith.constant 0 : index
    %get3A_24 = arith.constant 0 : index
    %get3A_25 = vector.load %arg4[%get3A_23, %get3A_24] : memref<1000x1xf32, #tpu.memory_space<vmem>>, vector<1000x1xf32>
    %max3A_26 = arith.constant 1.000000e+00 : f32
    %max3A_27 = vector.broadcast %max3A_26 : f32 to vector<1000x1xf32>
    %max3A_28 = arith.maximumf %get3A_25, %max3A_27 : vector<1000x1xf32>
    %rsqrt3A_29 = math.rsqrt %max3A_28 : vector<1000x1xf32>
    %mul3A_30 = vector.broadcast %rsqrt3A_29 : vector<1000x1xf32> to vector<1000x128xf32>
    %mul3A_31 = arith.mulf %max3A_22, %mul3A_30 : vector<1000x128xf32>
    %get3A_32 = arith.constant 0 : index
    %get3A_33 = arith.constant 0 : index
    %get3A_34 = vector.load %arg6[%get3A_32, %get3A_33] : memref<128x128xf32, #tpu.memory_space<vmem>>, vector<128x128xf32>
    %dot_general3A = arith.constant dense<0.000000e+00> : vector<1000x128xf32>
    %dot_general3A_35 = tpu.matmul %mul3A_31, %get3A_34, %dot_general3A {dimension_numbers = #tpu.dot_dimension_numbers<[1], [0], [0], [1], [0, 0, 1, 1], [], []>, transpose_lhs_hint = false} : vector<1000x128xf32>, vector<128x128xf32>, vector<1000x128xf32> -> vector<1000x128xf32>
    %swap3A = arith.constant 0 : index
    %swap3A_36 = arith.constant 0 : index
    %swap3A_37 = vector.load %arg7[%swap3A, %swap3A_36] : memref<1000x128xf32, #tpu.memory_space<vmem>>, vector<1000x128xf32>
    tpu.vector_store %arg7[%swap3A, %swap3A_36], %dot_general3A_35 {strides = array<i32>} : memref<1000x128xf32, #tpu.memory_space<vmem>>, vector<1000x128xf32>,
    return
  }
  func.func @transform_0(%arg0: i32) -> (i32, i32, i32) {
    %c0_i32 = arith.constant 0 : i32
    %c0_i32_0 = arith.constant 0 : i32
    %c0_i32_1 = arith.constant 0 : i32
    return %c0_i32, %arg0, %c0_i32_0 : i32, i32, i32
  }
  func.func @transform_1(%arg0: i32) -> (i32, i32, i32) {
    %c1_i32 = arith.constant 1 : i32
    %c0_i32 = arith.constant 0 : i32
    %c0_i32_0 = arith.constant 0 : i32
    return %c1_i32, %arg0, %c0_i32 : i32, i32, i32
  }
  func.func @transform_2(%arg0: i32) -> (i32, i32) {
    %c0_i32 = arith.constant 0 : i32
    %c0_i32_0 = arith.constant 0 : i32
    return %arg0, %c0_i32 : i32, i32
  }
  func.func @transform_3(%arg0: i32) -> (i32, i32) {
    %c0_i32 = arith.constant 0 : i32
    %c0_i32_0 = arith.constant 0 : i32
    return %arg0, %c0_i32 : i32, i32
  }
  func.func @transform_4(%arg0: i32) -> (i32, i32) {
    %c0_i32 = arith.constant 0 : i32
    %c0_i32_0 = arith.constant 0 : i32
    %c0_i32_1 = arith.constant 0 : i32
    return %c0_i32, %c0_i32_0 : i32, i32
  }
  func.func @transform_5(%arg0: i32) -> (i32, i32) {
    %c0_i32 = arith.constant 0 : i32
    %c0_i32_0 = arith.constant 0 : i32
    %c0_i32_1 = arith.constant 0 : i32
    return %c0_i32, %c0_i32_0 : i32, i32
  }
  func.func @transform_6(%arg0: i32) -> (i32, i32) {
    %c0_i32 = arith.constant 0 : i32
    %c0_i32_0 = arith.constant 0 : i32
    return %arg0, %c0_i32 : i32, i32
  }
}

module attributes {stable_mosaic.version = 14 : i64} {
  func.func @body(%arg0: i32, %arg1: memref<1x1000x128xf32, #tpu.memory_space<vmem>>, %arg2: memref<1x1000x128xf32, #tpu.memory_space<vmem>>, %arg3: memref<1000x1xf32, #tpu.memory_space<vmem>>, %arg4: memref<1x128xf32, #tpu.memory_space<vmem>>, %arg5: memref<128x64xf32, #tpu.memory_space<vmem>>, %arg6: memref<1x64xf32, #tpu.memory_space<vmem>>, %arg7: memref<64x1xf32, #tpu.memory_space<vmem>>, %arg8: memref<1x1xf32, #tpu.memory_space<vmem>>, %arg9: memref<1000x1xf32, #tpu.memory_space<vmem>>) attributes {dimension_semantics = [#tpu.dimension_semantics<arbitrary>], iteration_bounds = array<i64: 10>, scalar_prefetch = 0 : i64, scratch_operands = 0 : i64, tpu.core_type = #tpu.core_type<tc>, window_params = [{transform_indices = @transform_0, window_bounds = array<i64: 1, 1000, 128>}, {transform_indices = @transform_1, window_bounds = array<i64: 1, 1000, 128>}, {transform_indices = @transform_2, window_bounds = array<i64: 1000, 1>}, {pipeline_mode = #tpu.pipeline_mode<synchronous>, transform_indices = @transform_3, window_bounds = array<i64: 1, 128>}, {pipeline_mode = #tpu.pipeline_mode<synchronous>, transform_indices = @transform_4, window_bounds = array<i64: 128, 64>}, {pipeline_mode = #tpu.pipeline_mode<synchronous>, transform_indices = @transform_5, window_bounds = array<i64: 1, 64>}, {pipeline_mode = #tpu.pipeline_mode<synchronous>, transform_indices = @transform_6, window_bounds = array<i64: 64, 1>}, {pipeline_mode = #tpu.pipeline_mode<synchronous>, transform_indices = @transform_7, window_bounds = array<i64: 1, 1>}, {transform_indices = @transform_8, window_bounds = array<i64: 1000, 1>}]} {
    %get3A = arith.constant 0 : index
    %get3A_0 = arith.constant 0 : index
    %get3A_1 = arith.constant 0 : index
    %get3A_2 = vector.load %arg1[%get3A, %get3A_0, %get3A_1] : memref<1x1000x128xf32, #tpu.memory_space<vmem>>, vector<1x1000x128xf32>
    %get3A_3 = vector.shape_cast %get3A_2 : vector<1x1000x128xf32> to vector<1000x128xf32>
    %get3A_4 = arith.constant 0 : index
    %get3A_5 = arith.constant 0 : index
    %get3A_6 = arith.constant 0 : index
    %get3A_7 = vector.load %arg2[%get3A_4, %get3A_5, %get3A_6] : memref<1x1000x128xf32, #tpu.memory_space<vmem>>, vector<1x1000x128xf32>
    %get3A_8 = vector.shape_cast %get3A_7 : vector<1x1000x128xf32> to vector<1000x128xf32>
    %add3A = arith.addf %get3A_3, %get3A_8 : vector<1000x128xf32>
    %get3A_9 = arith.constant 0 : index
    %get3A_10 = arith.constant 0 : index
    %get3A_11 = vector.load %arg3[%get3A_9, %get3A_10] : memref<1000x1xf32, #tpu.memory_space<vmem>>, vector<1000x1xf32>
    %max3A = arith.constant 1.000000e+00 : f32
    %max3A_12 = vector.broadcast %max3A : f32 to vector<1000x1xf32>
    %max3A_13 = arith.maximumf %get3A_11, %max3A_12 : vector<1000x1xf32>
    %rsqrt3A = math.rsqrt %max3A_13 : vector<1000x1xf32>
    %mul3A = vector.broadcast %rsqrt3A : vector<1000x1xf32> to vector<1000x128xf32>
    %mul3A_14 = arith.mulf %add3A, %mul3A : vector<1000x128xf32>
    %get3A_15 = arith.constant 0 : index
    %get3A_16 = arith.constant 0 : index
    %get3A_17 = vector.load %arg4[%get3A_15, %get3A_16] : memref<1x128xf32, #tpu.memory_space<vmem>>, vector<1x128xf32>
    %add3A_18 = vector.broadcast %get3A_17 : vector<1x128xf32> to vector<1000x128xf32>
    %add3A_19 = arith.addf %mul3A_14, %add3A_18 : vector<1000x128xf32>
    %get3A_20 = arith.constant 0 : index
    %get3A_21 = arith.constant 0 : index
    %get3A_22 = vector.load %arg5[%get3A_20, %get3A_21] : memref<128x64xf32, #tpu.memory_space<vmem>>, vector<128x64xf32>
    %dot_general3A = arith.constant dense<0.000000e+00> : vector<1000x64xf32>
    %dot_general3A_23 = tpu.matmul %add3A_19, %get3A_22, %dot_general3A {dimension_numbers = #tpu.dot_dimension_numbers<[1], [0], [0], [1], [0, 0, 1, 1], [], []>, transpose_lhs_hint = false} : vector<1000x128xf32>, vector<128x64xf32>, vector<1000x64xf32> -> vector<1000x64xf32>
    %get3A_24 = arith.constant 0 : index
    %get3A_25 = arith.constant 0 : index
    %get3A_26 = vector.load %arg6[%get3A_24, %get3A_25] : memref<1x64xf32, #tpu.memory_space<vmem>>, vector<1x64xf32>
    %add3A_27 = vector.broadcast %get3A_26 : vector<1x64xf32> to vector<1000x64xf32>
    %add3A_28 = arith.addf %dot_general3A_23, %add3A_27 : vector<1000x64xf32>
    %get3A_29 = arith.constant 0 : index
    %get3A_30 = arith.constant 0 : index
    %get3A_31 = vector.load %arg7[%get3A_29, %get3A_30] : memref<64x1xf32, #tpu.memory_space<vmem>>, vector<64x1xf32>
    %dot_general3A_32 = arith.constant dense<0.000000e+00> : vector<1000x1xf32>
    %dot_general3A_33 = tpu.matmul %add3A_28, %get3A_31, %dot_general3A_32 {dimension_numbers = #tpu.dot_dimension_numbers<[1], [0], [0], [1], [0, 0, 1, 1], [], []>, transpose_lhs_hint = false} : vector<1000x64xf32>, vector<64x1xf32>, vector<1000x1xf32> -> vector<1000x1xf32>
    %get3A_34 = arith.constant 0 : index
    %get3A_35 = arith.constant 0 : index
    %get3A_36 = vector.load %arg8[%get3A_34, %get3A_35] : memref<1x1xf32, #tpu.memory_space<vmem>>, vector<1x1xf32>
    %get3A_37 = vector.extract %get3A_36[0, 0] : f32 from vector<1x1xf32>
    %add3A_38 = vector.broadcast %get3A_37 : f32 to vector<1000x1xf32>
    %add3A_39 = arith.addf %dot_general3A_33, %add3A_38 : vector<1000x1xf32>
    %swap3A = arith.constant 0 : index
    %swap3A_40 = arith.constant 0 : index
    %swap3A_41 = vector.load %arg9[%swap3A, %swap3A_40] : memref<1000x1xf32, #tpu.memory_space<vmem>>, vector<1000x1xf32>
    tpu.vector_store %arg9[%swap3A, %swap3A_40], %add3A_39 {strides = array<i32>} : memref<1000x1xf32, #tpu.memory_space<vmem>>, vector<1000x1xf32>,
    return
  }
  func.func @transform_0(%arg0: i32) -> (i32, i32, i32) {
    %c0_i32 = arith.constant 0 : i32
    %c0_i32_0 = arith.constant 0 : i32
    %c0_i32_1 = arith.constant 0 : i32
    return %c0_i32, %arg0, %c0_i32_0 : i32, i32, i32
  }
  func.func @transform_1(%arg0: i32) -> (i32, i32, i32) {
    %c1_i32 = arith.constant 1 : i32
    %c0_i32 = arith.constant 0 : i32
    %c0_i32_0 = arith.constant 0 : i32
    return %c1_i32, %arg0, %c0_i32 : i32, i32, i32
  }
  func.func @transform_2(%arg0: i32) -> (i32, i32) {
    %c0_i32 = arith.constant 0 : i32
    %c0_i32_0 = arith.constant 0 : i32
    return %arg0, %c0_i32 : i32, i32
  }
  func.func @transform_3(%arg0: i32) -> (i32, i32) {
    %c0_i32 = arith.constant 0 : i32
    %c0_i32_0 = arith.constant 0 : i32
    %c0_i32_1 = arith.constant 0 : i32
    return %c0_i32, %c0_i32_0 : i32, i32
  }
  func.func @transform_4(%arg0: i32) -> (i32, i32) {
    %c0_i32 = arith.constant 0 : i32
    %c0_i32_0 = arith.constant 0 : i32
    %c0_i32_1 = arith.constant 0 : i32
    return %c0_i32, %c0_i32_0 : i32, i32
  }
  func.func @transform_5(%arg0: i32) -> (i32, i32) {
    %c0_i32 = arith.constant 0 : i32
    %c0_i32_0 = arith.constant 0 : i32
    %c0_i32_1 = arith.constant 0 : i32
    return %c0_i32, %c0_i32_0 : i32, i32
  }
  func.func @transform_6(%arg0: i32) -> (i32, i32) {
    %c0_i32 = arith.constant 0 : i32
    %c0_i32_0 = arith.constant 0 : i32
    %c0_i32_1 = arith.constant 0 : i32
    return %c0_i32, %c0_i32_0 : i32, i32
  }
  func.func @transform_7(%arg0: i32) -> (i32, i32) {
    %c0_i32 = arith.constant 0 : i32
    %c0_i32_0 = arith.constant 0 : i32
    %c0_i32_1 = arith.constant 0 : i32
    return %c0_i32, %c0_i32_0 : i32, i32
  }
  func.func @transform_8(%arg0: i32) -> (i32, i32) {
    %c0_i32 = arith.constant 0 : i32
    %c0_i32_0 = arith.constant 0 : i32
    return %arg0, %c0_i32 : i32, i32
  }
}

</mosaic_0001>

<sc_bundles>
// kernel: kernel.12.cloned.1.call-start
scs
__scs_entry_jumppad:
0x0: {  	(pc) =	sbr.rel $0x88, $3  }
0x1: {  	(tag) =	ssettag $0x0;
	lr =	simm.s32 $0x1  }
0x2: {  	[smem:$0x3F84] =	sst lr;
	_ =	strace $0xD0000000  }
0x3: {  	_ = 	snop  }
0x4: {  	_ = 	snop  }
0x5: {  	_ = 	snop  }
0x6: {  	_ = 	snop  }
0x7: {  	_ = 	snop  }
__scs_overlays_trampoline_lowered:
0x8: {  	[smem:$0x3F93] =	sst s0  }
0x9: {  	[smem:$0x3F94] =	sst s1  }
0xa: {  	[smem:$0x3F95] =	sst s2  }
0xb: {  	[smem:$0x3F96] =	sst s3  }
0xc: {  	[smem:$0x3F97] =	sst s4  }
0xd: {  	[smem:$0x3F98] =	sst s5  }
0xe: {  	[smem:$0x3F99] =	sst s6  }
0xf: {  	[smem:$0x3F9A] =	sst s7  }
0x10: {  	[smem:$0x3F9B] =	sst s8  }
0x11: {  	[smem:$0x3F9C] =	sst s9;
	s0 =	simm.s32 @!p0 $0x0  }
0x12: {  	s1 =	sld [smem:$0x3F82];
	s0 =	simm.s32 @p0 $0x1  }
0x13: {  	[smem:$0x3F9D] =	sst s0;
	s0 =	simm.s32 @!p1 $0x0  }
0x14: {  	s2 =	sld [smem:$0x3F81];
	s0 =	simm.s32 @p1 $0x1  }
0x15: {  	[smem:$0x3F9E] =	sst s0;
	s0 =	simm.s32 @!p2 $0x0  }
0x16: {  	s3 =	sld [smem:$0x3FDB];
	s0 =	simm.s32 @p2 $0x1  }
0x17: {  	s4 =	simm.s32 $0x1BF5;
	[smem:$0x3FA0] =	sst s0  }
0x18: {  	s0 =	sld [smem:$0x3F83];
	_ =	swait.ge [sflag:s4], $0x0  }
0x19: {  	s7 =	sld [smem:$0x3F84]  }
0x1a: {  	s8 =	sadd.s32 $0xFFFFE003, lr  }
0x1b: {  	s9 =	sadd.s32 $0xFFFFFEF7, lr;
	s5 =	simm.s32 $0xFFFFFFFF;
	p2 =	slt.u32 s8, $0xFFFFF086  }
0x1c: {  	p1 =	slt.u32 s9, $0xF7A;
	s5 =	simm.s32 @!p2 $0x0  }
0x1d: {  	s5 =	simm.s32 @p1 $0x1;
	p0 =	seq.s32 s7, s2  }
0x1e: {  	s7 =	smul.u32 @!p0 $0xF7A, s2;
	p2 =	seq.s32 @!p0 s5, $0x0  }
0x1f: {  	s9 =	smul.u32 $0xF7A, s1;
	s8 =	simm.s32 @!p0 $0x1BF5;
	p2 =	por !p2, p0  }
0x20: {  	[sflag:s8] =	ssyncset.s32 @!p0 $0xFFFFF086;
	s6 =	sadd.s32 @!p0 s3, s7;
	s7 =	simm.s32 @!p0 $0x108  }
0x21: {  	s3 =	sadd.s32 s3, s9;
	s6 =	sadd.s32 @!p0 $0x88, s6;
	s7 =	simm.s32 @p2 $0x1082  }
0x22: {  	[simem:s7], [sflag:s8] =	dma.local @!p0 [hbm:s6], $0xF7A  }
0x23: {  	s9 =	sor.u32 $0xD0000000, s2;
	s6 =	simm.s32 $0x108;
	_ =	swait.ge @!p0 [sflag:s8], $0x0  }
0x24: {  	s3 =	sadd.s32 $0x88, s3;
	s6 =	simm.s32 @!p1 $0x1082;
	[sflag:s4] =	ssyncset.s32 $0xFFFFF086  }
0x25: {  	[simem:s6], [sflag:s4] =	dma.local [hbm:s3], $0xF7A  }
0x26: {  	[smem:$0x3F84] =	sst s1;
	(tag) =	ssettag s2;
	_ =	strace s9  }
0x27: {  	s1 =	sld [smem:$0x3F94]  }
0x28: {  	s2 =	sld [smem:$0x3F95]  }
0x29: {  	s4 =	sld [smem:$0x3F97]  }
0x2a: {  	p0 =	seq.s32 s5, $0x0;
	s5 =	sld [smem:$0x3F98]  }
0x2b: {  	s6 =	sld [smem:$0x3F99]  }
0x2c: {  	s7 =	sld [smem:$0x3F9A]  }
0x2d: {  	s3 =	simm.s32 $0x108;
	s8 =	sld [smem:$0x3F9B]  }
0x2e: {  	s3 =	simm.s32 @!p0 $0x1082;
	s9 =	sld [smem:$0x3F9C]  }
0x2f: {  	lr =	sadd.s32 s0, s3;
	s0 =	sld [smem:$0x3F93]  }
0x30: {  	s3 =	sld [smem:$0x3F96]  }
0x31: {  	[smem:$0x3F9F] =	sst s10  }
0x32: {  	s10 =	sld [smem:$0x3F9D];
	_ =	sdelay $0x3  }
0x33: {  	p0 =	seq.s32 s10, $0x1;
	s10 =	sld [smem:$0x3F9F];
	_ =	sdelay $0x3  }
0x34: {  	[smem:$0x3F9F] =	sst s10  }
0x35: {  	s10 =	sld [smem:$0x3F9E];
	_ =	sdelay $0x3  }
0x36: {  	p1 =	seq.s32 s10, $0x1;
	s10 =	sld [smem:$0x3F9F];
	_ =	sdelay $0x3  }
0x37: {  	[smem:$0x3F9F] =	sst s10  }
0x38: {  	s10 =	sld [smem:$0x3FA0]  }
0x39: {  	_ = 	snop;
	(pc) =	sbr.ind lr, $3  }
0x3a: {  	_ = 	snop  }
0x3b: {  	_ = 	snop  }
0x3c: {  	p2 =	seq.s32 s10, $0x1;
	s10 =	sld [smem:$0x3F9F]  }
0x3d: {  	_ =	shalt  }
0x3e: {  	_ =	shalt  }
0x3f: {  	_ =	shalt  }
0x40: {  	_ =	shalt  }
0x41: {  	_ =	shalt  }
0x42: {  	_ =	shalt  }
0x43: {  	_ =	shalt  }
0x44: {  	_ =	shalt  }
0x45: {  	_ =	shalt  }
0x46: {  	_ =	shalt  }
0x47: {  	_ =	shalt  }
0x48: {  	_ =	shalt  }
0x49: {  	_ =	shalt  }
0x4a: {  	_ =	shalt  }
0x4b: {  	_ =	shalt  }
0x4c: {  	_ =	shalt  }
0x4d: {  	_ =	shalt  }
0x4e: {  	_ =	shalt  }
0x4f: {  	_ =	shalt  }
0x50: {  	_ =	shalt  }
0x51: {  	_ =	shalt  }
0x52: {  	_ =	shalt  }
0x53: {  	_ =	shalt  }
0x54: {  	_ =	shalt  }
0x55: {  	_ =	shalt  }
0x56: {  	_ =	shalt  }
0x57: {  	_ =	shalt  }
0x58: {  	_ =	shalt  }
0x59: {  	_ =	shalt  }
0x5a: {  	_ =	shalt  }
0x5b: {  	_ =	shalt  }
0x5c: {  	_ =	shalt  }
0x5d: {  	_ =	shalt  }
0x5e: {  	_ =	shalt  }
0x5f: {  	_ =	shalt  }
0x60: {  	_ =	shalt  }
0x61: {  	_ =	shalt  }
0x62: {  	_ =	shalt  }
0x63: {  	_ =	shalt  }
0x64: {  	_ =	shalt  }
0x65: {  	_ =	shalt  }
0x66: {  	_ =	shalt  }
0x67: {  	_ =	shalt  }
0x68: {  	_ =	shalt  }
0x69: {  	_ =	shalt  }
0x6a: {  	_ =	shalt  }
0x6b: {  	_ =	shalt  }
0x6c: {  	_ =	shalt  }
0x6d: {  	_ =	shalt  }
0x6e: {  	_ =	shalt  }
0x6f: {  	_ =	shalt  }
0x70: {  	_ =	shalt  }
0x71: {  	_ =	shalt  }
0x72: {  	_ =	shalt  }
0x73: {  	_ =	shalt  }
0x74: {  	_ =	shalt  }
0x75: {  	_ =	shalt  }
0x76: {  	_ =	shalt  }
0x77: {  	_ =	shalt  }
0x78: {  	_ =	shalt  }
0x79: {  	_ =	shalt  }
0x7a: {  	_ =	shalt  }
0x7b: {  	_ =	shalt  }
0x7c: {  	_ =	shalt  }
0x7d: {  	_ =	shalt  }
0x7e: {  	_ =	shalt  }
0x7f: {  	_ =	shalt  }
0x80: {  	_ =	shalt  }
0x81: {  	_ =	shalt  }
0x82: {  	_ =	shalt  }
0x83: {  	_ =	shalt  }
0x84: {  	_ =	shalt  }
0x85: {  	_ =	shalt  }
0x86: {  	_ =	shalt  }
0x87: {  	_ =	shalt  }
.Lfunc_end0:
.L_simem_size_0:
called_computation.1_lowered:
.L_overlay_start_0:
0x88: {  	s2 =	sld [smem:$0x3FD9]  }
0x89: {  	s3 =	sld [smem:$0x3FFE];
	_ =	sdelay $0x1  }
0x8a: {  	s1 =	srdreg.scid  }
0x8b: {  	s0 =	sand.u32 $0x1, s1  }
0x8c: {  	s16 =	sshll.u32 s0, $0xA;
	s2 =	sadd.s32 s3, s2  }
0x8d: {  	s2 =	sadd.s32 s2, s16  }
0x8e: {  	[smem:$0x3FAB] =	sst s2  }
0x8f: {  	_ = 	snop  }
0x90: {  	(tm) =	ssettm $0x1  }
0x91: {  	s17 =	sld [smem:$0x3FFB];
	_ =	sdelay $0x3  }
0x92: {  	_ =	strace s17  }
0x93: {  	s2 =	sld [smem:$0x3FFC];
	_ =	sdelay $0x3  }
0x94: {  	_ =	strace s2  }
0x95: {  	s2 =	sld [smem:$0x3FFD];
	_ =	sdelay $0x3  }
0x96: {  	_ =	strace s2  }
0x97: {  	_ =	strace $0x8FFFFFFF  }
0x98: {  	s18 =	sld [smem:$0x3FDB];
	_ =	sdelay $0x1  }
0x99: {  	s19 =	simm.s32 $_scs_section_size  }
0x9a: {  	s4 =	simm.s32 $_size__tile_overlayer_lowered;
	s5 =	simm.s32 $_tile_overlayer_lowered  }
0x9b: {  	s22 =	simm.s32 $0x1BFF;
	s21 =	sshll.u32 s5, $0x1;
	s2 =	sadd.s32 s19, s18  }
0x9c: {  	s6 =	simm.s32 $0x0;
	s20 =	sshll.u32 s4, $0x1;
	s4 =	sadd.s32 s21, s2  }
0x9d: {  	[timem:s6], [sflag:s22] =	dma.local [hbm:s4], s20  }
0x9e: {  	_ =	swait.ge [sflag:s22], s20  }
0x9f: {  	s3 =	ssub.s32 $0x0, s20;
	[sflag:s22] =	ssyncset.done $0x0  }
0xa0: {  	[sflag:s22] =	ssyncadd.s32 s3;
	_ =	sdelay $0x1  }
0xa1: {  	s23 =	simm.s32 $0x1B8B  }
0xa2: {  	_ =	swait.ge [sflag:s23], $0x1  }
0xa3: {  	[sflag:s23] =	ssyncset.done $0x0  }
0xa4: {  	s25 =	simm.s32 $0x1B8E;
	s24 =	sld [smem:$0x3FFE];
	[sflag:s23] =	ssyncadd.s32 $0xFFFFFFFF  }
0xa5: {  	s26 =	simm.s32 $execute0_lowered;
	[smem:$0x3FD2] =	sst s25  }
0xa6: {  	s4 =	sshll.u32 s26, $0x1;
	_ =	strace $0x80000049;
	[dreg:$0x1] =	wrdreg $0xFFFFFFFF  }
0xa7: {  	s28 =	simm.s32 $_size_execute0_lowered;
	s2 =	sadd.s32 s2, s4;
	[dreg:$0x0] =	wrdreg $0x0  }
0xa8: {  	s4 =	sshll.u32 s28, $0x1;
	[dreg:$0x2] =	wrdreg s2  }
0xa9: {  	[dreg:$0x3] =	wrdreg s4  }
0xaa: {  	[dreg:$0x4] =	wrdreg $0xC0  }
0xab: {  	_ =	task [dreg:s6], $0x5FFFF  }
0xac: {  	[dreg:$0x1] =	wrdreg $0xFFFFFFFF  }
0xad: {  	[dreg:$0x0] =	wrdreg $0x60  }
0xae: {  	[dreg:$0x2] =	wrdreg s24  }
0xaf: {  	[dreg:$0x3] =	wrdreg $0xAC000  }
0xb0: {  	[dreg:$0x4] =	wrdreg $0x9  }
0xb1: {  	_ =	task.clear_ibuf [dreg:s6], $0x5FFFF;
	_ =	strace $0x90000049  }
0xb2: {  	s29 =	simm.s32 $0x9;
	_ =	strace $0x8000004B  }
0xb3: {  	_ =	swait.ge [sflag:s29], $0x1  }
0xb4: {  	[sflag:s29] =	ssyncadd.s32 $0xFFFFFFFF  }
0xb5: {  	_ =	strace $0x9000004B  }
0xb6: {  	_ =	sfence  }
0xb7: {  	s30 =	sld [smem:$0x0];
	_ =	sdelay $0x2  }
0xb8: {  	s31 =	sshll.u32 s1, $0xD;
	s1 =	sshrl.u32 s1, $0x2  }
0xb9: {  	s3 =	sand.u32 $0x4000, s31;
	s1 =	sadd.s32 s1, s30  }
0xba: {  	s0 =	sor.u32 s3, s0;
	s1 =	sshll.u32 s1, $0x11  }
0xbb: {  	s0 =	sor.u32 s1, s0  }
0xbc: {  	s0 =	sadd.s32 $0x8F2B, s0  }
0xbd: {  	[sflag:s0] =	ssyncadd.remote.s32 $0x1  }
0xbe: {  	_ =	sfence.sel $0xFFFF  }
0xbf: {  	[dreg:$0x0] =	wrdreg $0xFFFFFFFF;
	(pc) =	sbr.abs _section_cstart, $3  }
0xc0: {  	[dreg:$0x1] =	wrdreg $0xFFFFFFFF  }
0xc1: {  	_ =	task.clear_ibuf [dreg:s6], $0x2FFFF;
	_ =	strace $0x9FFFFFFF  }
0xc2: {  	(tm) =	ssettm $0x7FFFFFFF  }
0xc3: {  	_ =	shalt  }
tec
execute0_lowered:
.L_overlay_start_1:
0x0: {  	(tag) =	ssettag $0x1  }
0x1: {  	s5 =	rddreg [dreg:$0x0]  }
0x2: {  	s0 =	srdreg.scid;
	s2 =	rddreg [dreg:$0x1]  }
0x3: {  	s1 =	stileid.u32;
	s3 =	simm.s32 $0x0;
	s17 =	simm.s32 $0x3  }
0x4: {  	s18 =	simm.s32 $0x1400;
	s19 =	simm.s32 $0x1800;
	s20 =	simm.s32 $0x80  }
0x5: {  	s21 =	simm.s32 $0x1;
	s22 =	simm.s32 $0x6C00;
	s23 =	simm.s32 $0x2  }
0x6: {  	s6 =	sand.u32 $0x1, s0;
	s0 =	rddreg [dreg:$0x2];
	s7 =	smul.u32 $0x13C00, s1  }
0x7: {  	[smem:$0x7FF] =	sst s3;
	s8 =	smul.u32 $0x4F000, s1;
	s14 =	sadd.s32 $0x3C00, s5  }
0x8: {  	s15 =	sadd.s32 $0xDC00, s5;
	s4 =	smul.u32 $0x13C000, s6;
	_ =	strace $0x8000004A  }
0x9: {  	s28 =	ssub.s32 $0x2, s6;
	s29 =	sshll.u32 s6, $0x4;
	s30 =	sshrl.u32 s8, $0x2  }
0xa: {  	s31 =	sshrl.u32 s28, $0x1;
	s9 =	sor.u32 s1, s29;
	s7 =	sadd.s32 s7, s4  }
0xb: {  	s11 =	ssub.s32 s28, s31;
	s13 =	smul.u32 $0x500, s9;
	s7 =	sshrl.u32 s7, $0x3  }
0xc: {  	s4 =	sadd.s32 $0x17C00, s5;
	s11 =	smax.u32 s11, $0x1;
	s10 =	sadd.s32 s7, s5  }
0xd: {  	s5 =	sadd.s32 s30, s2;
	s16 =	sadd.s32 $0x280, s13;
	s12 =	sadd.s32 s14, s13  }
0xe: {  	s13 =	sadd.s32 s15, s13;
	s6 =	sadd.s32 $0x4000, s5;
	s7 =	sadd.s32 $0x8000, s5  }
0xf: {  	s8 =	sadd.s32 $0xC000, s5;
	s9 =	sadd.s32 $0x10000, s5;
	s10 =	sadd.s32 $0x3EE00, s10  }
0x10: {  	v0 =	vimm.f32 $0.0e+00;
	s14 =	sadd.s32 s14, s16;
	s15 =	sadd.s32 s15, s16;
	s16 =	simm.s32 $0x2C00  }
.LBB2_1:
0x11: {  	s24 =	simm.s32 $0x0;
	s25 =	simm.s32 $0x200  }
.LBB2_2:
0x12: {  	p0 =	sne.s32 s25, $0xFE00;
	[tilespmem:s24+$0x2C70] =	vst v0  }
0x13: {  	[tilespmem:s24+$0x2C00] =	vst v0  }
0x14: {  	[tilespmem:s24+$0x2C10] =	vst v0  }
.Ltmp0:
0x15: {  	[tilespmem:s24+$0x2C20] =	vst v0;
	(pc) =	sbr.rel @p0 .LBB2_2-.Ltmp0, $4  }
0x16: {  	[tilespmem:s24+$0x2C30] =	vst v0  }
0x17: {  	[tilespmem:s24+$0x2C40] =	vst v0  }
0x18: {  	[tilespmem:s24+$0x2C50] =	vst v0  }
0x19: {  	[tilespmem:s24+$0x2C60] =	vst v0;
	s24 =	sshra.s32 s25, $0x2;
	s25 =	sadd.s32 $0x200, s25  }
0x1a: {  	[tilespmem:s24+$0x2C70] =	vst v0  }
0x1b: {  	[tilespmem:s24+$0x2C00] =	vst v0  }
0x1c: {  	[tilespmem:s24+$0x2C10] =	vst v0  }
0x1d: {  	[tilespmem:s24+$0x2C20] =	vst v0  }
0x1e: {  	[tilespmem:s24+$0x2C30] =	vst v0  }
0x1f: {  	[tilespmem:s24+$0x2C40] =	vst v0  }
0x20: {  	[tilespmem:s24+$0x2C50] =	vst v0  }
0x21: {  	[tilespmem:s24+$0x2C60] =	vst v0  }
0x22: {  	[spmem:s5] =	stream.linear.scatter [tilespmem:s16], [sflag:$0x3], $0x4000, $0x38;
	[tilespmem:$0x1E800] =	vst v63  }
0x23: {  	_ =	swait.ge [sflag:s17], $0x4000  }
0x24: {  	[sflag:s17] =	ssyncset.done $0x0  }
0x25: {  	[sflag:s17] =	ssyncadd.s32 $0xFFFFC000  }
0x26: {  	[spmem:s6] =	stream.linear.scatter [tilespmem:s16], [sflag:$0x3], $0x4000, $0x38;
	[tilespmem:$0x1E800] =	vst v63  }
0x27: {  	_ =	swait.ge [sflag:s17], $0x4000  }
0x28: {  	[sflag:s17] =	ssyncset.done $0x0  }
0x29: {  	[sflag:s17] =	ssyncadd.s32 $0xFFFFC000  }
0x2a: {  	[spmem:s7] =	stream.linear.scatter [tilespmem:s16], [sflag:$0x3], $0x4000, $0x38;
	[tilespmem:$0x1E800] =	vst v63  }
0x2b: {  	_ =	swait.ge [sflag:s17], $0x4000  }
0x2c: {  	[sflag:s17] =	ssyncset.done $0x0  }
0x2d: {  	[sflag:s17] =	ssyncadd.s32 $0xFFFFC000  }
0x2e: {  	[spmem:s8] =	stream.linear.scatter [tilespmem:s16], [sflag:$0x3], $0x4000, $0x38;
	[tilespmem:$0x1E800] =	vst v63  }
0x2f: {  	_ =	swait.ge [sflag:s17], $0x4000  }
0x30: {  	[sflag:s17] =	ssyncset.done $0x0  }
0x31: {  	[sflag:s17] =	ssyncadd.s32 $0xFFFFC000  }
0x32: {  	[spmem:s9] =	stream.linear.scatter [tilespmem:s16], [sflag:$0x3], $0x3C00, $0x38;
	[tilespmem:$0x1E800] =	vst v63  }
0x33: {  	_ =	swait.ge [sflag:s17], $0x3C00  }
0x34: {  	[sflag:s17] =	ssyncset.done $0x0  }
0x35: {  	[sflag:s17] =	ssyncadd.s32 $0xFFFFC400  }
0x36: {  	s26 =	simm.s32 $0x0;
	[bflag:$0x0] =	sbarrier.arrive $0xFFFF  }
0x37: {  	[tilespmem:s26], [sflag:$0x3] =	stream.linear.gather [hbm4b:s12+s26], $0x1400, $0x38;
	[tilespmem:$0x1E800] =	vst v63  }
0x38: {  	_ =	swait.ge [sflag:s17], $0x1400  }
0x39: {  	[sflag:s17] =	ssyncset.done $0x0  }
0x3a: {  	[sflag:s17] =	ssyncadd.s32 $0xFFFFEC00  }
0x3b: {  	[tilespmem:s18], [sflag:$0x3] =	stream.linear.gather [hbm4b:s12+s26], $0x400, $0x38;
	[tilespmem:$0x1E800] =	vst v63  }
0x3c: {  	_ =	swait.ge [sflag:s17], $0x400  }
0x3d: {  	[sflag:s17] =	ssyncset.done $0x0  }
0x3e: {  	[sflag:s17] =	ssyncadd.s32 $0xFFFFFC00  }
0x3f: {  	[tilespmem:s19], [sflag:$0x3] =	stream.linear.gather [hbm4b:s13+s26], $0x1400, $0x38;
	[tilespmem:$0x1E800] =	vst v63  }
0x40: {  	_ =	swait.ge [sflag:s17], $0x1400  }
0x41: {  	[sflag:s17] =	ssyncset.done $0x0  }
0x42: {  	[sflag:s17] =	ssyncadd.s32 $0xFFFFEC00  }
0x43: {  	[tilespmem:s16], [sflag:$0x1] =	stream.indirect.gather [hbm4b:s4+s20], $0x80, s26, s20, $0xb8;
	[tilespmem:$0x1E800] =	vst v63  }
0x44: {  	_ =	swait.ge [sflag:s21], $0x4000  }
0x45: {  	[sflag:s21] =	ssyncset.done $0x0  }
0x46: {  	s28 =	simm.s32 $0x80;
	[sflag:s21] =	ssyncadd.s32 $0xFFFFC000  }
0x47: {  	[tilespmem:s22], [sflag:$0x2] =	stream.indirect.gather [hbm4b:s4+s20], $0x80, s28, s20, $0xb8;
	[tilespmem:$0x1E800] =	vst v63  }
0x48: {  	s29 =	simm.s32 $0x1800  }
0x49: {  	[spmem:s2] =	stream.indirect.scatter.add.f32 [tilespmem:s16], [sflag:$0x3], $0x80, s29, s20, $0xb8;
	[tilespmem:$0x1E800] =	vst v63  }
0x4a: {  	_ =	swait.ge [sflag:s17], $0x4000  }
0x4b: {  	[sflag:s17] =	ssyncset.done $0x0  }
0x4c: {  	[sflag:s17] =	ssyncadd.s32 $0xFFFFC000  }
0x4d: {  	_ =	swait.ge [sflag:s23], $0x4000  }
0x4e: {  	[sflag:s23] =	ssyncset.done $0x0  }
0x4f: {  	s30 =	simm.s32 $0x100;
	[sflag:s23] =	ssyncadd.s32 $0xFFFFC000  }
0x50: {  	[tilespmem:s16], [sflag:$0x1] =	stream.indirect.gather [hbm4b:s4+s20], $0x80, s30, s20, $0xb8;
	[tilespmem:$0x1E800] =	vst v63  }
0x51: {  	s31 =	simm.s32 $0x1880  }
0x52: {  	[spmem:s2] =	stream.indirect.scatter.add.f32 [tilespmem:s22], [sflag:$0x3], $0x80, s31, s20, $0xb8;
	[tilespmem:$0x1E800] =	vst v63  }
0x53: {  	_ =	swait.ge [sflag:s17], $0x4000  }
0x54: {  	s24 =	simm.s32 $0x400;
	[sflag:s17] =	ssyncset.done $0x0  }
.LBB2_4:
0x55: {  	p0 =	sne.s32 s24, $0x4C00  }
0x56: {  	[sflag:s17] =	ssyncadd.s32 $0xFFFFC000;
	s25 =	smov.u32 s24;
	s24 =	sadd.s32 $0x400, s24  }
0x57: {  	_ = 	snop  }
0x58: {  	_ =	swait.ge [sflag:s21], $0x4000  }
0x59: {  	s25 =	sshra.s32 s25, $0x2;
	[sflag:s21] =	ssyncset.done $0x0  }
0x5a: {  	s26 =	sadd.s32 $0x80, s25;
	[sflag:s21] =	ssyncadd.s32 $0xFFFFC000  }
0x5b: {  	[tilespmem:s22], [sflag:$0x2] =	stream.indirect.gather [hbm4b:s4+s20], $0x80, s26, s20, $0xb8;
	[tilespmem:$0x1E800] =	vst v63  }
0x5c: {  	s26 =	sadd.s32 $0x1800, s25  }
0x5d: {  	[spmem:s2] =	stream.indirect.scatter.add.f32 [tilespmem:s16], [sflag:$0x3], $0x80, s26, s20, $0xb8;
	[tilespmem:$0x1E800] =	vst v63  }
0x5e: {  	_ =	swait.ge [sflag:s17], $0x4000  }
0x5f: {  	[sflag:s17] =	ssyncset.done $0x0  }
0x60: {  	[sflag:s17] =	ssyncadd.s32 $0xFFFFC000  }
0x61: {  	_ =	swait.ge [sflag:s23], $0x4000  }
0x62: {  	[sflag:s23] =	ssyncset.done $0x0  }
0x63: {  	s26 =	sadd.s32 $0x100, s25;
	[sflag:s23] =	ssyncadd.s32 $0xFFFFC000  }
0x64: {  	[tilespmem:s16], [sflag:$0x1] =	stream.indirect.gather [hbm4b:s4+s20], $0x80, s26, s20, $0xb8;
	[tilespmem:$0x1E800] =	vst v63  }
.Ltmp1:
0x65: {  	_ = 	snop;
	(pc) =	sbr.rel @p0 .LBB2_4-.Ltmp1, $4  }
0x66: {  	s25 =	sadd.s32 $0x1880, s25  }
0x67: {  	[spmem:s2] =	stream.indirect.scatter.add.f32 [tilespmem:s22], [sflag:$0x3], $0x80, s25, s20, $0xb8;
	[tilespmem:$0x1E800] =	vst v63  }
0x68: {  	_ =	swait.ge [sflag:s17], $0x4000  }
0x69: {  	[sflag:s17] =	ssyncset.done $0x0  }
0x6a: {  	[sflag:s17] =	ssyncadd.s32 $0xFFFFC000  }
0x6b: {  	_ =	swait.ge [sflag:s21], $0x4000  }
0x6c: {  	[sflag:s21] =	ssyncset.done $0x0  }
0x6d: {  	s24 =	simm.s32 $0x0;
	[sflag:s21] =	ssyncadd.s32 $0xFFFFC000  }
0x6e: {  	[tilespmem:s24], [sflag:$0x3] =	stream.linear.gather [hbm4b:s14+s24], $0x1400, $0x38;
	[tilespmem:$0x1E800] =	vst v63  }
0x6f: {  	_ =	swait.ge [sflag:s17], $0x1400  }
0x70: {  	[sflag:s17] =	ssyncset.done $0x0  }
0x71: {  	[sflag:s17] =	ssyncadd.s32 $0xFFFFEC00  }
0x72: {  	[tilespmem:s18], [sflag:$0x3] =	stream.linear.gather [hbm4b:s14+s24], $0x400, $0x38;
	[tilespmem:$0x1E800] =	vst v63  }
0x73: {  	_ =	swait.ge [sflag:s17], $0x400  }
0x74: {  	[sflag:s17] =	ssyncset.done $0x0  }
0x75: {  	[sflag:s17] =	ssyncadd.s32 $0xFFFFFC00  }
0x76: {  	[tilespmem:s19], [sflag:$0x3] =	stream.linear.gather [hbm4b:s15+s24], $0x1400, $0x38;
	[tilespmem:$0x1E800] =	vst v63  }
0x77: {  	_ =	swait.ge [sflag:s17], $0x1400  }
0x78: {  	[sflag:s17] =	ssyncset.done $0x0  }
0x79: {  	[sflag:s17] =	ssyncadd.s32 $0xFFFFEC00  }
0x7a: {  	[tilespmem:s16], [sflag:$0x1] =	stream.indirect.gather [hbm4b:s4+s20], $0x80, s24, s20, $0xb8;
	[tilespmem:$0x1E800] =	vst v63  }
0x7b: {  	_ =	swait.ge [sflag:s21], $0x4000  }
0x7c: {  	[sflag:s21] =	ssyncset.done $0x0  }
0x7d: {  	s28 =	simm.s32 $0x80;
	[sflag:s21] =	ssyncadd.s32 $0xFFFFC000  }
0x7e: {  	[tilespmem:s22], [sflag:$0x2] =	stream.indirect.gather [hbm4b:s4+s20], $0x80, s28, s20, $0xb8;
	[tilespmem:$0x1E800] =	vst v63  }
0x7f: {  	s29 =	simm.s32 $0x1800  }
0x80: {  	[spmem:s2] =	stream.indirect.scatter.add.f32 [tilespmem:s16], [sflag:$0x3], $0x80, s29, s20, $0xb8;
	[tilespmem:$0x1E800] =	vst v63  }
0x81: {  	_ =	swait.ge [sflag:s17], $0x4000  }
0x82: {  	[sflag:s17] =	ssyncset.done $0x0  }
0x83: {  	[sflag:s17] =	ssyncadd.s32 $0xFFFFC000  }
0x84: {  	_ =	swait.ge [sflag:s23], $0x4000  }
0x85: {  	[sflag:s23] =	ssyncset.done $0x0  }
0x86: {  	s30 =	simm.s32 $0x100;
	[sflag:s23] =	ssyncadd.s32 $0xFFFFC000  }
0x87: {  	[tilespmem:s16], [sflag:$0x1] =	stream.indirect.gather [hbm4b:s4+s20], $0x80, s30, s20, $0xb8;
	[tilespmem:$0x1E800] =	vst v63  }
0x88: {  	s31 =	simm.s32 $0x1880  }
0x89: {  	[spmem:s2] =	stream.indirect.scatter.add.f32 [tilespmem:s22], [sflag:$0x3], $0x80, s31, s20, $0xb8;
	[tilespmem:$0x1E800] =	vst v63  }
0x8a: {  	_ =	swait.ge [sflag:s17], $0x4000  }
0x8b: {  	s24 =	simm.s32 $0x400;
	[sflag:s17] =	ssyncset.done $0x0  }
.LBB2_6:
0x8c: {  	p0 =	sne.s32 s24, $0x4C00  }
0x8d: {  	[sflag:s17] =	ssyncadd.s32 $0xFFFFC000;
	s25 =	smov.u32 s24;
	s24 =	sadd.s32 $0x400, s24  }
0x8e: {  	_ = 	snop  }
0x8f: {  	_ =	swait.ge [sflag:s21], $0x4000  }
0x90: {  	s25 =	sshra.s32 s25, $0x2;
	[sflag:s21] =	ssyncset.done $0x0  }
0x91: {  	s26 =	sadd.s32 $0x80, s25;
	[sflag:s21] =	ssyncadd.s32 $0xFFFFC000  }
0x92: {  	[tilespmem:s22], [sflag:$0x2] =	stream.indirect.gather [hbm4b:s4+s20], $0x80, s26, s20, $0xb8;
	[tilespmem:$0x1E800] =	vst v63  }
0x93: {  	s26 =	sadd.s32 $0x1800, s25  }
0x94: {  	[spmem:s2] =	stream.indirect.scatter.add.f32 [tilespmem:s16], [sflag:$0x3], $0x80, s26, s20, $0xb8;
	[tilespmem:$0x1E800] =	vst v63  }
0x95: {  	_ =	swait.ge [sflag:s17], $0x4000  }
0x96: {  	[sflag:s17] =	ssyncset.done $0x0  }
0x97: {  	[sflag:s17] =	ssyncadd.s32 $0xFFFFC000  }
0x98: {  	_ =	swait.ge [sflag:s23], $0x4000  }
0x99: {  	[sflag:s23] =	ssyncset.done $0x0  }
0x9a: {  	s26 =	sadd.s32 $0x100, s25;
	[sflag:s23] =	ssyncadd.s32 $0xFFFFC000  }
0x9b: {  	[tilespmem:s16], [sflag:$0x1] =	stream.indirect.gather [hbm4b:s4+s20], $0x80, s26, s20, $0xb8;
	[tilespmem:$0x1E800] =	vst v63  }
.Ltmp2:
0x9c: {  	_ = 	snop;
	(pc) =	sbr.rel @p0 .LBB2_6-.Ltmp2, $4  }
0x9d: {  	s25 =	sadd.s32 $0x1880, s25  }
0x9e: {  	[spmem:s2] =	stream.indirect.scatter.add.f32 [tilespmem:s22], [sflag:$0x3], $0x80, s25, s20, $0xb8;
	[tilespmem:$0x1E800] =	vst v63  }
0x9f: {  	_ =	swait.ge [sflag:s17], $0x4000  }
0xa0: {  	[sflag:s17] =	ssyncset.done $0x0  }
0xa1: {  	[sflag:s17] =	ssyncadd.s32 $0xFFFFC000  }
0xa2: {  	_ =	swait.ge [sflag:s21], $0x4000  }
0xa3: {  	s24 =	sshll.u32 s1, $0x6;
	s3 =	sadd.s32 $0x1, s3;
	[sflag:s21] =	ssyncset.done $0x0  }
0xa4: {  	s25 =	sshrl.u32 s5, $0x3;
	p0 =	sne.s32 s3, s11;
	[sflag:s21] =	ssyncadd.s32 $0xFFFFC000  }
.Ltmp3:
0xa5: {  	s24 =	sor.u32 $0x1C03, s24;
	[bflag:$0x0] =	sbarrier.arrive $0xFFFF;
	(pc) =	sbr.rel @p0 .LBB2_1-.Ltmp3, $4  }
0xa6: {  	[hbm:s10], [sflag:s24] =	dma.local [spmem:s25], $0x2780  }
0xa7: {  	_ =	swait.ge [sflag:s17], $0x2780  }
0xa8: {  	[sflag:s17] =	ssyncset.done $0x0  }
0xa9: {  	[sflag:s17] =	ssyncadd.s32 $0xFFFFD880  }
0xaa: {  	_ =	sfence.sel $0x180000  }
0xab: {  	[bflag:$0x0] =	sbarrier.arrive $0xFFFF  }
0xac: {  	p0 =	sne.s32 s1, $0x0;
	_ =	strace $0x9000004A  }
0xad: {  	s0 =	sadd.s32 @!p0 $0x100000, s0;
	[bflag:$0x2] =	sbarrier.arrive $0xFFFF  }
0xae: {  	[sflag:s0] =	ssyncadd.tile.s32 @!p0 $0x1;
	_ =	shalt  }
.Lfunc_end2:
_tile_overlayer_lowered:
.L_overlay_start_2:
0xaf: {  	(tag) =	ssettag $0x2  }
0xb0: {  	s0 =	rddreg [dreg:$0x0];
	s2 =	stileid.u32  }
0xb1: {  	s1 =	rddreg [dreg:$0x1];
	p0 =	sne.s32 s2, $0x0  }
0xb2: {  	s3 =	rddreg [dreg:$0x2];
	[bflag:$0x3] =	sbarrier.arrive $0xFFFF;
	s2 =	simm.s32 @!p0 $0x1C03  }
0xb3: {  	[timem:s3], [sflag:s2] =	dma.local @!p0 [hbm:s0], s1  }
0xb4: {  	s0 =	simm.s32 @!p0 $0x3  }
0xb5: {  	_ =	swait.ge @!p0 [sflag:s0], s1  }
0xb6: {  	s1 =	ssub.s32 @!p0 $0x0, s1;
	[sflag:s0] =	ssyncset.done @!p0 $0x0  }
0xb7: {  	[sflag:s0] =	ssyncadd.s32 @!p0 s1  }
0xb8: {  	[bflag:$0x3] =	sbarrier.arrive $0xFFFF  }
0xb9: {  	_ =	shalt  }

// kernel: kernel.15.cloned.1.call-start
scs
__scs_entry_jumppad:
0x0: {  	(pc) =	sbr.rel $0x88, $3  }
0x1: {  	(tag) =	ssettag $0x0;
	lr =	simm.s32 $0x1  }
0x2: {  	[smem:$0x3F84] =	sst lr;
	_ =	strace $0xD0000000  }
0x3: {  	_ = 	snop  }
0x4: {  	_ = 	snop  }
0x5: {  	_ = 	snop  }
0x6: {  	_ = 	snop  }
0x7: {  	_ = 	snop  }
__scs_overlays_trampoline_lowered:
0x8: {  	[smem:$0x3F93] =	sst s0  }
0x9: {  	[smem:$0x3F94] =	sst s1  }
0xa: {  	[smem:$0x3F95] =	sst s2  }
0xb: {  	[smem:$0x3F96] =	sst s3  }
0xc: {  	[smem:$0x3F97] =	sst s4  }
0xd: {  	[smem:$0x3F98] =	sst s5  }
0xe: {  	[smem:$0x3F99] =	sst s6  }
0xf: {  	[smem:$0x3F9A] =	sst s7  }
0x10: {  	[smem:$0x3F9B] =	sst s8  }
0x11: {  	[smem:$0x3F9C] =	sst s9;
	s0 =	simm.s32 @!p0 $0x0  }
0x12: {  	s1 =	sld [smem:$0x3F82];
	s0 =	simm.s32 @p0 $0x1  }
0x13: {  	[smem:$0x3F9D] =	sst s0;
	s0 =	simm.s32 @!p1 $0x0  }
0x14: {  	s2 =	sld [smem:$0x3F81];
	s0 =	simm.s32 @p1 $0x1  }
0x15: {  	[smem:$0x3F9E] =	sst s0;
	s0 =	simm.s32 @!p2 $0x0  }
0x16: {  	s3 =	sld [smem:$0x3FDB];
	s0 =	simm.s32 @p2 $0x1  }
0x17: {  	s4 =	simm.s32 $0x1BF5;
	[smem:$0x3FA0] =	sst s0  }
0x18: {  	s0 =	sld [smem:$0x3F83];
	_ =	swait.ge [sflag:s4], $0x0  }
0x19: {  	s7 =	sld [smem:$0x3F84]  }
0x1a: {  	s8 =	sadd.s32 $0xFFFFE003, lr  }
0x1b: {  	s9 =	sadd.s32 $0xFFFFFEF7, lr;
	s5 =	simm.s32 $0xFFFFFFFF;
	p2 =	slt.u32 s8, $0xFFFFF086  }
0x1c: {  	p1 =	slt.u32 s9, $0xF7A;
	s5 =	simm.s32 @!p2 $0x0  }
0x1d: {  	s5 =	simm.s32 @p1 $0x1;
	p0 =	seq.s32 s7, s2  }
0x1e: {  	s7 =	smul.u32 @!p0 $0xF7A, s2;
	p2 =	seq.s32 @!p0 s5, $0x0  }
0x1f: {  	s9 =	smul.u32 $0xF7A, s1;
	s8 =	simm.s32 @!p0 $0x1BF5;
	p2 =	por !p2, p0  }
0x20: {  	[sflag:s8] =	ssyncset.s32 @!p0 $0xFFFFF086;
	s6 =	sadd.s32 @!p0 s3, s7;
	s7 =	simm.s32 @!p0 $0x108  }
0x21: {  	s3 =	sadd.s32 s3, s9;
	s6 =	sadd.s32 @!p0 $0x88, s6;
	s7 =	simm.s32 @p2 $0x1082  }
0x22: {  	[simem:s7], [sflag:s8] =	dma.local @!p0 [hbm:s6], $0xF7A  }
0x23: {  	s9 =	sor.u32 $0xD0000000, s2;
	s6 =	simm.s32 $0x108;
	_ =	swait.ge @!p0 [sflag:s8], $0x0  }
0x24: {  	s3 =	sadd.s32 $0x88, s3;
	s6 =	simm.s32 @!p1 $0x1082;
	[sflag:s4] =	ssyncset.s32 $0xFFFFF086  }
0x25: {  	[simem:s6], [sflag:s4] =	dma.local [hbm:s3], $0xF7A  }
0x26: {  	[smem:$0x3F84] =	sst s1;
	(tag) =	ssettag s2;
	_ =	strace s9  }
0x27: {  	s1 =	sld [smem:$0x3F94]  }
0x28: {  	s2 =	sld [smem:$0x3F95]  }
0x29: {  	s4 =	sld [smem:$0x3F97]  }
0x2a: {  	p0 =	seq.s32 s5, $0x0;
	s5 =	sld [smem:$0x3F98]  }
0x2b: {  	s6 =	sld [smem:$0x3F99]  }
0x2c: {  	s7 =	sld [smem:$0x3F9A]  }
0x2d: {  	s3 =	simm.s32 $0x108;
	s8 =	sld [smem:$0x3F9B]  }
0x2e: {  	s3 =	simm.s32 @!p0 $0x1082;
	s9 =	sld [smem:$0x3F9C]  }
0x2f: {  	lr =	sadd.s32 s0, s3;
	s0 =	sld [smem:$0x3F93]  }
0x30: {  	s3 =	sld [smem:$0x3F96]  }
0x31: {  	[smem:$0x3F9F] =	sst s10  }
0x32: {  	s10 =	sld [smem:$0x3F9D];
	_ =	sdelay $0x3  }
0x33: {  	p0 =	seq.s32 s10, $0x1;
	s10 =	sld [smem:$0x3F9F];
	_ =	sdelay $0x3  }
0x34: {  	[smem:$0x3F9F] =	sst s10  }
0x35: {  	s10 =	sld [smem:$0x3F9E];
	_ =	sdelay $0x3  }
0x36: {  	p1 =	seq.s32 s10, $0x1;
	s10 =	sld [smem:$0x3F9F];
	_ =	sdelay $0x3  }
0x37: {  	[smem:$0x3F9F] =	sst s10  }
0x38: {  	s10 =	sld [smem:$0x3FA0]  }
0x39: {  	_ = 	snop;
	(pc) =	sbr.ind lr, $3  }
0x3a: {  	_ = 	snop  }
0x3b: {  	_ = 	snop  }
0x3c: {  	p2 =	seq.s32 s10, $0x1;
	s10 =	sld [smem:$0x3F9F]  }
0x3d: {  	_ =	shalt  }
0x3e: {  	_ =	shalt  }
0x3f: {  	_ =	shalt  }
0x40: {  	_ =	shalt  }
0x41: {  	_ =	shalt  }
0x42: {  	_ =	shalt  }
0x43: {  	_ =	shalt  }
0x44: {  	_ =	shalt  }
0x45: {  	_ =	shalt  }
0x46: {  	_ =	shalt  }
0x47: {  	_ =	shalt  }
0x48: {  	_ =	shalt  }
0x49: {  	_ =	shalt  }
0x4a: {  	_ =	shalt  }
0x4b: {  	_ =	shalt  }
0x4c: {  	_ =	shalt  }
0x4d: {  	_ =	shalt  }
0x4e: {  	_ =	shalt  }
0x4f: {  	_ =	shalt  }
0x50: {  	_ =	shalt  }
0x51: {  	_ =	shalt  }
0x52: {  	_ =	shalt  }
0x53: {  	_ =	shalt  }
0x54: {  	_ =	shalt  }
0x55: {  	_ =	shalt  }
0x56: {  	_ =	shalt  }
0x57: {  	_ =	shalt  }
0x58: {  	_ =	shalt  }
0x59: {  	_ =	shalt  }
0x5a: {  	_ =	shalt  }
0x5b: {  	_ =	shalt  }
0x5c: {  	_ =	shalt  }
0x5d: {  	_ =	shalt  }
0x5e: {  	_ =	shalt  }
0x5f: {  	_ =	shalt  }
0x60: {  	_ =	shalt  }
0x61: {  	_ =	shalt  }
0x62: {  	_ =	shalt  }
0x63: {  	_ =	shalt  }
0x64: {  	_ =	shalt  }
0x65: {  	_ =	shalt  }
0x66: {  	_ =	shalt  }
0x67: {  	_ =	shalt  }
0x68: {  	_ =	shalt  }
0x69: {  	_ =	shalt  }
0x6a: {  	_ =	shalt  }
0x6b: {  	_ =	shalt  }
0x6c: {  	_ =	shalt  }
0x6d: {  	_ =	shalt  }
0x6e: {  	_ =	shalt  }
0x6f: {  	_ =	shalt  }
0x70: {  	_ =	shalt  }
0x71: {  	_ =	shalt  }
0x72: {  	_ =	shalt  }
0x73: {  	_ =	shalt  }
0x74: {  	_ =	shalt  }
0x75: {  	_ =	shalt  }
0x76: {  	_ =	shalt  }
0x77: {  	_ =	shalt  }
0x78: {  	_ =	shalt  }
0x79: {  	_ =	shalt  }
0x7a: {  	_ =	shalt  }
0x7b: {  	_ =	shalt  }
0x7c: {  	_ =	shalt  }
0x7d: {  	_ =	shalt  }
0x7e: {  	_ =	shalt  }
0x7f: {  	_ =	shalt  }
0x80: {  	_ =	shalt  }
0x81: {  	_ =	shalt  }
0x82: {  	_ =	shalt  }
0x83: {  	_ =	shalt  }
0x84: {  	_ =	shalt  }
0x85: {  	_ =	shalt  }
0x86: {  	_ =	shalt  }
0x87: {  	_ =	shalt  }
.Lfunc_end0:
.L_simem_size_0:
called_computation.2_lowered:
.L_overlay_start_0:
0x88: {  	s2 =	sld [smem:$0x3FD9]  }
0x89: {  	s3 =	sld [smem:$0x3FFE];
	_ =	sdelay $0x1  }
0x8a: {  	s1 =	srdreg.scid  }
0x8b: {  	s0 =	sand.u32 $0x1, s1  }
0x8c: {  	s16 =	sshll.u32 s0, $0xA;
	s2 =	sadd.s32 s3, s2  }
0x8d: {  	s2 =	sadd.s32 s2, s16  }
0x8e: {  	[smem:$0x3FAB] =	sst s2  }
0x8f: {  	_ = 	snop  }
0x90: {  	(tm) =	ssettm $0x1  }
0x91: {  	s17 =	sld [smem:$0x3FFB];
	_ =	sdelay $0x3  }
0x92: {  	_ =	strace s17  }
0x93: {  	s2 =	sld [smem:$0x3FFC];
	_ =	sdelay $0x3  }
0x94: {  	_ =	strace s2  }
0x95: {  	s2 =	sld [smem:$0x3FFD];
	_ =	sdelay $0x3  }
0x96: {  	_ =	strace s2  }
0x97: {  	_ =	strace $0x8FFFFFFF  }
0x98: {  	s18 =	sld [smem:$0x3FDB];
	_ =	sdelay $0x1  }
0x99: {  	s19 =	simm.s32 $_scs_section_size  }
0x9a: {  	s4 =	simm.s32 $_size__tile_overlayer_lowered;
	s5 =	simm.s32 $_tile_overlayer_lowered  }
0x9b: {  	s22 =	simm.s32 $0x1BFF;
	s21 =	sshll.u32 s5, $0x1;
	s2 =	sadd.s32 s19, s18  }
0x9c: {  	s6 =	simm.s32 $0x0;
	s20 =	sshll.u32 s4, $0x1;
	s4 =	sadd.s32 s21, s2  }
0x9d: {  	[timem:s6], [sflag:s22] =	dma.local [hbm:s4], s20  }
0x9e: {  	_ =	swait.ge [sflag:s22], s20  }
0x9f: {  	s3 =	ssub.s32 $0x0, s20;
	[sflag:s22] =	ssyncset.done $0x0  }
0xa0: {  	[sflag:s22] =	ssyncadd.s32 s3;
	_ =	sdelay $0x1  }
0xa1: {  	s23 =	simm.s32 $0x1B8B  }
0xa2: {  	_ =	swait.ge [sflag:s23], $0x1  }
0xa3: {  	[sflag:s23] =	ssyncset.done $0x0  }
0xa4: {  	s25 =	simm.s32 $0x1B8E;
	s24 =	sld [smem:$0x3FFE];
	[sflag:s23] =	ssyncadd.s32 $0xFFFFFFFF  }
0xa5: {  	s26 =	simm.s32 $execute0_lowered;
	[smem:$0x3FD2] =	sst s25  }
0xa6: {  	s4 =	sshll.u32 s26, $0x1;
	_ =	strace $0x8000004C;
	[dreg:$0x1] =	wrdreg $0xFFFFFFFF  }
0xa7: {  	s28 =	simm.s32 $_size_execute0_lowered;
	s2 =	sadd.s32 s2, s4;
	[dreg:$0x0] =	wrdreg $0x0  }
0xa8: {  	s4 =	sshll.u32 s28, $0x1;
	[dreg:$0x2] =	wrdreg s2  }
0xa9: {  	[dreg:$0x3] =	wrdreg s4  }
0xaa: {  	[dreg:$0x4] =	wrdreg $0xC0  }
0xab: {  	_ =	task [dreg:s6], $0x5FFFF  }
0xac: {  	[dreg:$0x1] =	wrdreg $0xFFFFFFFF  }
0xad: {  	[dreg:$0x0] =	wrdreg $0x60  }
0xae: {  	[dreg:$0x2] =	wrdreg s24  }
0xaf: {  	[dreg:$0x3] =	wrdreg $0xAC000  }
0xb0: {  	[dreg:$0x4] =	wrdreg $0x9  }
0xb1: {  	_ =	task.clear_ibuf [dreg:s6], $0x5FFFF;
	_ =	strace $0x9000004C  }
0xb2: {  	s29 =	simm.s32 $0x9;
	_ =	strace $0x8000004E  }
0xb3: {  	_ =	swait.ge [sflag:s29], $0x1  }
0xb4: {  	[sflag:s29] =	ssyncadd.s32 $0xFFFFFFFF  }
0xb5: {  	_ =	strace $0x9000004E  }
0xb6: {  	_ =	sfence  }
0xb7: {  	s30 =	sld [smem:$0x0];
	_ =	sdelay $0x2  }
0xb8: {  	s31 =	sshll.u32 s1, $0xD;
	s1 =	sshrl.u32 s1, $0x2  }
0xb9: {  	s3 =	sand.u32 $0x4000, s31;
	s1 =	sadd.s32 s1, s30  }
0xba: {  	s0 =	sor.u32 s3, s0;
	s1 =	sshll.u32 s1, $0x11  }
0xbb: {  	s0 =	sor.u32 s1, s0  }
0xbc: {  	s0 =	sadd.s32 $0x8F2B, s0  }
0xbd: {  	[sflag:s0] =	ssyncadd.remote.s32 $0x1  }
0xbe: {  	_ =	sfence.sel $0xFFFF  }
0xbf: {  	[dreg:$0x0] =	wrdreg $0xFFFFFFFF;
	(pc) =	sbr.abs _section_cstart, $3  }
0xc0: {  	[dreg:$0x1] =	wrdreg $0xFFFFFFFF  }
0xc1: {  	_ =	task.clear_ibuf [dreg:s6], $0x2FFFF;
	_ =	strace $0x9FFFFFFF  }
0xc2: {  	(tm) =	ssettm $0x7FFFFFFF  }
0xc3: {  	_ =	shalt  }
tec
execute0_lowered:
.L_overlay_start_1:
0x0: {  	(tag) =	ssettag $0x1  }
0x1: {  	s5 =	rddreg [dreg:$0x0]  }
0x2: {  	s0 =	srdreg.scid;
	s2 =	rddreg [dreg:$0x1]  }
0x3: {  	s1 =	stileid.u32;
	s3 =	simm.s32 $0x0;
	s17 =	simm.s32 $0x3  }
0x4: {  	s18 =	simm.s32 $0x1400;
	s19 =	simm.s32 $0x1800;
	s20 =	simm.s32 $0x80  }
0x5: {  	s21 =	simm.s32 $0x1;
	s22 =	simm.s32 $0x6C00;
	s23 =	simm.s32 $0x2  }
0x6: {  	s6 =	sand.u32 $0x1, s0;
	s0 =	rddreg [dreg:$0x2];
	s7 =	smul.u32 $0x13C00, s1  }
0x7: {  	[smem:$0x7FF] =	sst s3;
	s8 =	smul.u32 $0x4F000, s1;
	s14 =	sadd.s32 $0x3C00, s5  }
0x8: {  	s15 =	sadd.s32 $0xDC00, s5;
	s4 =	smul.u32 $0x13C000, s6;
	_ =	strace $0x8000004D  }
0x9: {  	s28 =	ssub.s32 $0x2, s6;
	s29 =	sshll.u32 s6, $0x4;
	s30 =	sshrl.u32 s8, $0x2  }
0xa: {  	s31 =	sshrl.u32 s28, $0x1;
	s9 =	sor.u32 s1, s29;
	s7 =	sadd.s32 s7, s4  }
0xb: {  	s11 =	ssub.s32 s28, s31;
	s13 =	smul.u32 $0x500, s9;
	s7 =	sshrl.u32 s7, $0x3  }
0xc: {  	s4 =	sadd.s32 $0x17C00, s5;
	s11 =	smax.u32 s11, $0x1;
	s10 =	sadd.s32 s7, s5  }
0xd: {  	s5 =	sadd.s32 s30, s2;
	s16 =	sadd.s32 $0x280, s13;
	s12 =	sadd.s32 s14, s13  }
0xe: {  	s13 =	sadd.s32 s15, s13;
	s6 =	sadd.s32 $0x4000, s5;
	s7 =	sadd.s32 $0x8000, s5  }
0xf: {  	s8 =	sadd.s32 $0xC000, s5;
	s9 =	sadd.s32 $0x10000, s5;
	s10 =	sadd.s32 $0x3EE00, s10  }
0x10: {  	v0 =	vimm.f32 $0.0e+00;
	s14 =	sadd.s32 s14, s16;
	s15 =	sadd.s32 s15, s16;
	s16 =	simm.s32 $0x2C00  }
.LBB2_1:
0x11: {  	s24 =	simm.s32 $0x0;
	s25 =	simm.s32 $0x200  }
.LBB2_2:
0x12: {  	p0 =	sne.s32 s25, $0xFE00;
	[tilespmem:s24+$0x2C70] =	vst v0  }
0x13: {  	[tilespmem:s24+$0x2C00] =	vst v0  }
0x14: {  	[tilespmem:s24+$0x2C10] =	vst v0  }
.Ltmp0:
0x15: {  	[tilespmem:s24+$0x2C20] =	vst v0;
	(pc) =	sbr.rel @p0 .LBB2_2-.Ltmp0, $4  }
0x16: {  	[tilespmem:s24+$0x2C30] =	vst v0  }
0x17: {  	[tilespmem:s24+$0x2C40] =	vst v0  }
0x18: {  	[tilespmem:s24+$0x2C50] =	vst v0  }
0x19: {  	[tilespmem:s24+$0x2C60] =	vst v0;
	s24 =	sshra.s32 s25, $0x2;
	s25 =	sadd.s32 $0x200, s25  }
0x1a: {  	[tilespmem:s24+$0x2C70] =	vst v0  }
0x1b: {  	[tilespmem:s24+$0x2C00] =	vst v0  }
0x1c: {  	[tilespmem:s24+$0x2C10] =	vst v0  }
0x1d: {  	[tilespmem:s24+$0x2C20] =	vst v0  }
0x1e: {  	[tilespmem:s24+$0x2C30] =	vst v0  }
0x1f: {  	[tilespmem:s24+$0x2C40] =	vst v0  }
0x20: {  	[tilespmem:s24+$0x2C50] =	vst v0  }
0x21: {  	[tilespmem:s24+$0x2C60] =	vst v0  }
0x22: {  	[spmem:s5] =	stream.linear.scatter [tilespmem:s16], [sflag:$0x3], $0x4000, $0x38;
	[tilespmem:$0x1E800] =	vst v63  }
0x23: {  	_ =	swait.ge [sflag:s17], $0x4000  }
0x24: {  	[sflag:s17] =	ssyncset.done $0x0  }
0x25: {  	[sflag:s17] =	ssyncadd.s32 $0xFFFFC000  }
0x26: {  	[spmem:s6] =	stream.linear.scatter [tilespmem:s16], [sflag:$0x3], $0x4000, $0x38;
	[tilespmem:$0x1E800] =	vst v63  }
0x27: {  	_ =	swait.ge [sflag:s17], $0x4000  }
0x28: {  	[sflag:s17] =	ssyncset.done $0x0  }
0x29: {  	[sflag:s17] =	ssyncadd.s32 $0xFFFFC000  }
0x2a: {  	[spmem:s7] =	stream.linear.scatter [tilespmem:s16], [sflag:$0x3], $0x4000, $0x38;
	[tilespmem:$0x1E800] =	vst v63  }
0x2b: {  	_ =	swait.ge [sflag:s17], $0x4000  }
0x2c: {  	[sflag:s17] =	ssyncset.done $0x0  }
0x2d: {  	[sflag:s17] =	ssyncadd.s32 $0xFFFFC000  }
0x2e: {  	[spmem:s8] =	stream.linear.scatter [tilespmem:s16], [sflag:$0x3], $0x4000, $0x38;
	[tilespmem:$0x1E800] =	vst v63  }
0x2f: {  	_ =	swait.ge [sflag:s17], $0x4000  }
0x30: {  	[sflag:s17] =	ssyncset.done $0x0  }
0x31: {  	[sflag:s17] =	ssyncadd.s32 $0xFFFFC000  }
0x32: {  	[spmem:s9] =	stream.linear.scatter [tilespmem:s16], [sflag:$0x3], $0x3C00, $0x38;
	[tilespmem:$0x1E800] =	vst v63  }
0x33: {  	_ =	swait.ge [sflag:s17], $0x3C00  }
0x34: {  	[sflag:s17] =	ssyncset.done $0x0  }
0x35: {  	[sflag:s17] =	ssyncadd.s32 $0xFFFFC400  }
0x36: {  	s26 =	simm.s32 $0x0;
	[bflag:$0x0] =	sbarrier.arrive $0xFFFF  }
0x37: {  	[tilespmem:s26], [sflag:$0x3] =	stream.linear.gather [hbm4b:s12+s26], $0x1400, $0x38;
	[tilespmem:$0x1E800] =	vst v63  }
0x38: {  	_ =	swait.ge [sflag:s17], $0x1400  }
0x39: {  	[sflag:s17] =	ssyncset.done $0x0  }
0x3a: {  	[sflag:s17] =	ssyncadd.s32 $0xFFFFEC00  }
0x3b: {  	[tilespmem:s18], [sflag:$0x3] =	stream.linear.gather [hbm4b:s12+s26], $0x400, $0x38;
	[tilespmem:$0x1E800] =	vst v63  }
0x3c: {  	_ =	swait.ge [sflag:s17], $0x400  }
0x3d: {  	[sflag:s17] =	ssyncset.done $0x0  }
0x3e: {  	[sflag:s17] =	ssyncadd.s32 $0xFFFFFC00  }
0x3f: {  	[tilespmem:s19], [sflag:$0x3] =	stream.linear.gather [hbm4b:s13+s26], $0x1400, $0x38;
	[tilespmem:$0x1E800] =	vst v63  }
0x40: {  	_ =	swait.ge [sflag:s17], $0x1400  }
0x41: {  	[sflag:s17] =	ssyncset.done $0x0  }
0x42: {  	[sflag:s17] =	ssyncadd.s32 $0xFFFFEC00  }
0x43: {  	[tilespmem:s16], [sflag:$0x1] =	stream.indirect.gather [hbm4b:s4+s20], $0x80, s26, s20, $0xb8;
	[tilespmem:$0x1E800] =	vst v63  }
0x44: {  	_ =	swait.ge [sflag:s21], $0x4000  }
0x45: {  	[sflag:s21] =	ssyncset.done $0x0  }
0x46: {  	s28 =	simm.s32 $0x80;
	[sflag:s21] =	ssyncadd.s32 $0xFFFFC000  }
0x47: {  	[tilespmem:s22], [sflag:$0x2] =	stream.indirect.gather [hbm4b:s4+s20], $0x80, s28, s20, $0xb8;
	[tilespmem:$0x1E800] =	vst v63  }
0x48: {  	s29 =	simm.s32 $0x1800  }
0x49: {  	[spmem:s2] =	stream.indirect.scatter.add.f32 [tilespmem:s16], [sflag:$0x3], $0x80, s29, s20, $0xb8;
	[tilespmem:$0x1E800] =	vst v63  }
0x4a: {  	_ =	swait.ge [sflag:s17], $0x4000  }
0x4b: {  	[sflag:s17] =	ssyncset.done $0x0  }
0x4c: {  	[sflag:s17] =	ssyncadd.s32 $0xFFFFC000  }
0x4d: {  	_ =	swait.ge [sflag:s23], $0x4000  }
0x4e: {  	[sflag:s23] =	ssyncset.done $0x0  }
0x4f: {  	s30 =	simm.s32 $0x100;
	[sflag:s23] =	ssyncadd.s32 $0xFFFFC000  }
0x50: {  	[tilespmem:s16], [sflag:$0x1] =	stream.indirect.gather [hbm4b:s4+s20], $0x80, s30, s20, $0xb8;
	[tilespmem:$0x1E800] =	vst v63  }
0x51: {  	s31 =	simm.s32 $0x1880  }
0x52: {  	[spmem:s2] =	stream.indirect.scatter.add.f32 [tilespmem:s22], [sflag:$0x3], $0x80, s31, s20, $0xb8;
	[tilespmem:$0x1E800] =	vst v63  }
0x53: {  	_ =	swait.ge [sflag:s17], $0x4000  }
0x54: {  	s24 =	simm.s32 $0x400;
	[sflag:s17] =	ssyncset.done $0x0  }
.LBB2_4:
0x55: {  	p0 =	sne.s32 s24, $0x4C00  }
0x56: {  	[sflag:s17] =	ssyncadd.s32 $0xFFFFC000;
	s25 =	smov.u32 s24;
	s24 =	sadd.s32 $0x400, s24  }
0x57: {  	_ = 	snop  }
0x58: {  	_ =	swait.ge [sflag:s21], $0x4000  }
0x59: {  	s25 =	sshra.s32 s25, $0x2;
	[sflag:s21] =	ssyncset.done $0x0  }
0x5a: {  	s26 =	sadd.s32 $0x80, s25;
	[sflag:s21] =	ssyncadd.s32 $0xFFFFC000  }
0x5b: {  	[tilespmem:s22], [sflag:$0x2] =	stream.indirect.gather [hbm4b:s4+s20], $0x80, s26, s20, $0xb8;
	[tilespmem:$0x1E800] =	vst v63  }
0x5c: {  	s26 =	sadd.s32 $0x1800, s25  }
0x5d: {  	[spmem:s2] =	stream.indirect.scatter.add.f32 [tilespmem:s16], [sflag:$0x3], $0x80, s26, s20, $0xb8;
	[tilespmem:$0x1E800] =	vst v63  }
0x5e: {  	_ =	swait.ge [sflag:s17], $0x4000  }
0x5f: {  	[sflag:s17] =	ssyncset.done $0x0  }
0x60: {  	[sflag:s17] =	ssyncadd.s32 $0xFFFFC000  }
0x61: {  	_ =	swait.ge [sflag:s23], $0x4000  }
0x62: {  	[sflag:s23] =	ssyncset.done $0x0  }
0x63: {  	s26 =	sadd.s32 $0x100, s25;
	[sflag:s23] =	ssyncadd.s32 $0xFFFFC000  }
0x64: {  	[tilespmem:s16], [sflag:$0x1] =	stream.indirect.gather [hbm4b:s4+s20], $0x80, s26, s20, $0xb8;
	[tilespmem:$0x1E800] =	vst v63  }
.Ltmp1:
0x65: {  	_ = 	snop;
	(pc) =	sbr.rel @p0 .LBB2_4-.Ltmp1, $4  }
0x66: {  	s25 =	sadd.s32 $0x1880, s25  }
0x67: {  	[spmem:s2] =	stream.indirect.scatter.add.f32 [tilespmem:s22], [sflag:$0x3], $0x80, s25, s20, $0xb8;
	[tilespmem:$0x1E800] =	vst v63  }
0x68: {  	_ =	swait.ge [sflag:s17], $0x4000  }
0x69: {  	[sflag:s17] =	ssyncset.done $0x0  }
0x6a: {  	[sflag:s17] =	ssyncadd.s32 $0xFFFFC000  }
0x6b: {  	_ =	swait.ge [sflag:s21], $0x4000  }
0x6c: {  	[sflag:s21] =	ssyncset.done $0x0  }
0x6d: {  	s24 =	simm.s32 $0x0;
	[sflag:s21] =	ssyncadd.s32 $0xFFFFC000  }
0x6e: {  	[tilespmem:s24], [sflag:$0x3] =	stream.linear.gather [hbm4b:s14+s24], $0x1400, $0x38;
	[tilespmem:$0x1E800] =	vst v63  }
0x6f: {  	_ =	swait.ge [sflag:s17], $0x1400  }
0x70: {  	[sflag:s17] =	ssyncset.done $0x0  }
0x71: {  	[sflag:s17] =	ssyncadd.s32 $0xFFFFEC00  }
0x72: {  	[tilespmem:s18], [sflag:$0x3] =	stream.linear.gather [hbm4b:s14+s24], $0x400, $0x38;
	[tilespmem:$0x1E800] =	vst v63  }
0x73: {  	_ =	swait.ge [sflag:s17], $0x400  }
0x74: {  	[sflag:s17] =	ssyncset.done $0x0  }
0x75: {  	[sflag:s17] =	ssyncadd.s32 $0xFFFFFC00  }
0x76: {  	[tilespmem:s19], [sflag:$0x3] =	stream.linear.gather [hbm4b:s15+s24], $0x1400, $0x38;
	[tilespmem:$0x1E800] =	vst v63  }
0x77: {  	_ =	swait.ge [sflag:s17], $0x1400  }
0x78: {  	[sflag:s17] =	ssyncset.done $0x0  }
0x79: {  	[sflag:s17] =	ssyncadd.s32 $0xFFFFEC00  }
0x7a: {  	[tilespmem:s16], [sflag:$0x1] =	stream.indirect.gather [hbm4b:s4+s20], $0x80, s24, s20, $0xb8;
	[tilespmem:$0x1E800] =	vst v63  }
0x7b: {  	_ =	swait.ge [sflag:s21], $0x4000  }
0x7c: {  	[sflag:s21] =	ssyncset.done $0x0  }
0x7d: {  	s28 =	simm.s32 $0x80;
	[sflag:s21] =	ssyncadd.s32 $0xFFFFC000  }
0x7e: {  	[tilespmem:s22], [sflag:$0x2] =	stream.indirect.gather [hbm4b:s4+s20], $0x80, s28, s20, $0xb8;
	[tilespmem:$0x1E800] =	vst v63  }
0x7f: {  	s29 =	simm.s32 $0x1800  }
0x80: {  	[spmem:s2] =	stream.indirect.scatter.add.f32 [tilespmem:s16], [sflag:$0x3], $0x80, s29, s20, $0xb8;
	[tilespmem:$0x1E800] =	vst v63  }
0x81: {  	_ =	swait.ge [sflag:s17], $0x4000  }
0x82: {  	[sflag:s17] =	ssyncset.done $0x0  }
0x83: {  	[sflag:s17] =	ssyncadd.s32 $0xFFFFC000  }
0x84: {  	_ =	swait.ge [sflag:s23], $0x4000  }
0x85: {  	[sflag:s23] =	ssyncset.done $0x0  }
0x86: {  	s30 =	simm.s32 $0x100;
	[sflag:s23] =	ssyncadd.s32 $0xFFFFC000  }
0x87: {  	[tilespmem:s16], [sflag:$0x1] =	stream.indirect.gather [hbm4b:s4+s20], $0x80, s30, s20, $0xb8;
	[tilespmem:$0x1E800] =	vst v63  }
0x88: {  	s31 =	simm.s32 $0x1880  }
0x89: {  	[spmem:s2] =	stream.indirect.scatter.add.f32 [tilespmem:s22], [sflag:$0x3], $0x80, s31, s20, $0xb8;
	[tilespmem:$0x1E800] =	vst v63  }
0x8a: {  	_ =	swait.ge [sflag:s17], $0x4000  }
0x8b: {  	s24 =	simm.s32 $0x400;
	[sflag:s17] =	ssyncset.done $0x0  }
.LBB2_6:
0x8c: {  	p0 =	sne.s32 s24, $0x4C00  }
0x8d: {  	[sflag:s17] =	ssyncadd.s32 $0xFFFFC000;
	s25 =	smov.u32 s24;
	s24 =	sadd.s32 $0x400, s24  }
0x8e: {  	_ = 	snop  }
0x8f: {  	_ =	swait.ge [sflag:s21], $0x4000  }
0x90: {  	s25 =	sshra.s32 s25, $0x2;
	[sflag:s21] =	ssyncset.done $0x0  }
0x91: {  	s26 =	sadd.s32 $0x80, s25;
	[sflag:s21] =	ssyncadd.s32 $0xFFFFC000  }
0x92: {  	[tilespmem:s22], [sflag:$0x2] =	stream.indirect.gather [hbm4b:s4+s20], $0x80, s26, s20, $0xb8;
	[tilespmem:$0x1E800] =	vst v63  }
0x93: {  	s26 =	sadd.s32 $0x1800, s25  }
0x94: {  	[spmem:s2] =	stream.indirect.scatter.add.f32 [tilespmem:s16], [sflag:$0x3], $0x80, s26, s20, $0xb8;
	[tilespmem:$0x1E800] =	vst v63  }
0x95: {  	_ =	swait.ge [sflag:s17], $0x4000  }
0x96: {  	[sflag:s17] =	ssyncset.done $0x0  }
0x97: {  	[sflag:s17] =	ssyncadd.s32 $0xFFFFC000  }
0x98: {  	_ =	swait.ge [sflag:s23], $0x4000  }
0x99: {  	[sflag:s23] =	ssyncset.done $0x0  }
0x9a: {  	s26 =	sadd.s32 $0x100, s25;
	[sflag:s23] =	ssyncadd.s32 $0xFFFFC000  }
0x9b: {  	[tilespmem:s16], [sflag:$0x1] =	stream.indirect.gather [hbm4b:s4+s20], $0x80, s26, s20, $0xb8;
	[tilespmem:$0x1E800] =	vst v63  }
.Ltmp2:
0x9c: {  	_ = 	snop;
	(pc) =	sbr.rel @p0 .LBB2_6-.Ltmp2, $4  }
0x9d: {  	s25 =	sadd.s32 $0x1880, s25  }
0x9e: {  	[spmem:s2] =	stream.indirect.scatter.add.f32 [tilespmem:s22], [sflag:$0x3], $0x80, s25, s20, $0xb8;
	[tilespmem:$0x1E800] =	vst v63  }
0x9f: {  	_ =	swait.ge [sflag:s17], $0x4000  }
0xa0: {  	[sflag:s17] =	ssyncset.done $0x0  }
0xa1: {  	[sflag:s17] =	ssyncadd.s32 $0xFFFFC000  }
0xa2: {  	_ =	swait.ge [sflag:s21], $0x4000  }
0xa3: {  	s24 =	sshll.u32 s1, $0x6;
	s3 =	sadd.s32 $0x1, s3;
	[sflag:s21] =	ssyncset.done $0x0  }
0xa4: {  	s25 =	sshrl.u32 s5, $0x3;
	p0 =	sne.s32 s3, s11;
	[sflag:s21] =	ssyncadd.s32 $0xFFFFC000  }
.Ltmp3:
0xa5: {  	s24 =	sor.u32 $0x1C03, s24;
	[bflag:$0x0] =	sbarrier.arrive $0xFFFF;
	(pc) =	sbr.rel @p0 .LBB2_1-.Ltmp3, $4  }
0xa6: {  	[hbm:s10], [sflag:s24] =	dma.local [spmem:s25], $0x2780  }
0xa7: {  	_ =	swait.ge [sflag:s17], $0x2780  }
0xa8: {  	[sflag:s17] =	ssyncset.done $0x0  }
0xa9: {  	[sflag:s17] =	ssyncadd.s32 $0xFFFFD880  }
0xaa: {  	_ =	sfence.sel $0x180000  }
0xab: {  	[bflag:$0x0] =	sbarrier.arrive $0xFFFF  }
0xac: {  	p0 =	sne.s32 s1, $0x0;
	_ =	strace $0x9000004D  }
0xad: {  	s0 =	sadd.s32 @!p0 $0x100000, s0;
	[bflag:$0x2] =	sbarrier.arrive $0xFFFF  }
0xae: {  	[sflag:s0] =	ssyncadd.tile.s32 @!p0 $0x1;
	_ =	shalt  }
.Lfunc_end2:
_tile_overlayer_lowered:
.L_overlay_start_2:
0xaf: {  	(tag) =	ssettag $0x2  }
0xb0: {  	s0 =	rddreg [dreg:$0x0];
	s2 =	stileid.u32  }
0xb1: {  	s1 =	rddreg [dreg:$0x1];
	p0 =	sne.s32 s2, $0x0  }
0xb2: {  	s3 =	rddreg [dreg:$0x2];
	[bflag:$0x3] =	sbarrier.arrive $0xFFFF;
	s2 =	simm.s32 @!p0 $0x1C03  }
0xb3: {  	[timem:s3], [sflag:s2] =	dma.local @!p0 [hbm:s0], s1  }
0xb4: {  	s0 =	simm.s32 @!p0 $0x3  }
0xb5: {  	_ =	swait.ge @!p0 [sflag:s0], s1  }
0xb6: {  	s1 =	ssub.s32 @!p0 $0x0, s1;
	[sflag:s0] =	ssyncset.done @!p0 $0x0  }
0xb7: {  	[sflag:s0] =	ssyncadd.s32 @!p0 s1  }
0xb8: {  	[bflag:$0x3] =	sbarrier.arrive $0xFFFF  }
0xb9: {  	_ =	shalt  }

// kernel: kernel.9.cloned.1.call-start
scs
__scs_entry_jumppad:
0x0: {  	(pc) =	sbr.rel $0x88, $3  }
0x1: {  	(tag) =	ssettag $0x0;
	lr =	simm.s32 $0x1  }
0x2: {  	[smem:$0x3F84] =	sst lr;
	_ =	strace $0xD0000000  }
0x3: {  	_ = 	snop  }
0x4: {  	_ = 	snop  }
0x5: {  	_ = 	snop  }
0x6: {  	_ = 	snop  }
0x7: {  	_ = 	snop  }
__scs_overlays_trampoline_lowered:
0x8: {  	[smem:$0x3F93] =	sst s0  }
0x9: {  	[smem:$0x3F94] =	sst s1  }
0xa: {  	[smem:$0x3F95] =	sst s2  }
0xb: {  	[smem:$0x3F96] =	sst s3  }
0xc: {  	[smem:$0x3F97] =	sst s4  }
0xd: {  	[smem:$0x3F98] =	sst s5  }
0xe: {  	[smem:$0x3F99] =	sst s6  }
0xf: {  	[smem:$0x3F9A] =	sst s7  }
0x10: {  	[smem:$0x3F9B] =	sst s8  }
0x11: {  	[smem:$0x3F9C] =	sst s9;
	s0 =	simm.s32 @!p0 $0x0  }
0x12: {  	s1 =	sld [smem:$0x3F82];
	s0 =	simm.s32 @p0 $0x1  }
0x13: {  	[smem:$0x3F9D] =	sst s0;
	s0 =	simm.s32 @!p1 $0x0  }
0x14: {  	s2 =	sld [smem:$0x3F81];
	s0 =	simm.s32 @p1 $0x1  }
0x15: {  	[smem:$0x3F9E] =	sst s0;
	s0 =	simm.s32 @!p2 $0x0  }
0x16: {  	s3 =	sld [smem:$0x3FDB];
	s0 =	simm.s32 @p2 $0x1  }
0x17: {  	s4 =	simm.s32 $0x1BF5;
	[smem:$0x3FA0] =	sst s0  }
0x18: {  	s0 =	sld [smem:$0x3F83];
	_ =	swait.ge [sflag:s4], $0x0  }
0x19: {  	s7 =	sld [smem:$0x3F84]  }
0x1a: {  	s8 =	sadd.s32 $0xFFFFE003, lr  }
0x1b: {  	s9 =	sadd.s32 $0xFFFFFEF7, lr;
	s5 =	simm.s32 $0xFFFFFFFF;
	p2 =	slt.u32 s8, $0xFFFFF086  }
0x1c: {  	p1 =	slt.u32 s9, $0xF7A;
	s5 =	simm.s32 @!p2 $0x0  }
0x1d: {  	s5 =	simm.s32 @p1 $0x1;
	p0 =	seq.s32 s7, s2  }
0x1e: {  	s7 =	smul.u32 @!p0 $0xF7A, s2;
	p2 =	seq.s32 @!p0 s5, $0x0  }
0x1f: {  	s9 =	smul.u32 $0xF7A, s1;
	s8 =	simm.s32 @!p0 $0x1BF5;
	p2 =	por !p2, p0  }
0x20: {  	[sflag:s8] =	ssyncset.s32 @!p0 $0xFFFFF086;
	s6 =	sadd.s32 @!p0 s3, s7;
	s7 =	simm.s32 @!p0 $0x108  }
0x21: {  	s3 =	sadd.s32 s3, s9;
	s6 =	sadd.s32 @!p0 $0x88, s6;
	s7 =	simm.s32 @p2 $0x1082  }
0x22: {  	[simem:s7], [sflag:s8] =	dma.local @!p0 [hbm:s6], $0xF7A  }
0x23: {  	s9 =	sor.u32 $0xD0000000, s2;
	s6 =	simm.s32 $0x108;
	_ =	swait.ge @!p0 [sflag:s8], $0x0  }
0x24: {  	s3 =	sadd.s32 $0x88, s3;
	s6 =	simm.s32 @!p1 $0x1082;
	[sflag:s4] =	ssyncset.s32 $0xFFFFF086  }
0x25: {  	[simem:s6], [sflag:s4] =	dma.local [hbm:s3], $0xF7A  }
0x26: {  	[smem:$0x3F84] =	sst s1;
	(tag) =	ssettag s2;
	_ =	strace s9  }
0x27: {  	s1 =	sld [smem:$0x3F94]  }
0x28: {  	s2 =	sld [smem:$0x3F95]  }
0x29: {  	s4 =	sld [smem:$0x3F97]  }
0x2a: {  	p0 =	seq.s32 s5, $0x0;
	s5 =	sld [smem:$0x3F98]  }
0x2b: {  	s6 =	sld [smem:$0x3F99]  }
0x2c: {  	s7 =	sld [smem:$0x3F9A]  }
0x2d: {  	s3 =	simm.s32 $0x108;
	s8 =	sld [smem:$0x3F9B]  }
0x2e: {  	s3 =	simm.s32 @!p0 $0x1082;
	s9 =	sld [smem:$0x3F9C]  }
0x2f: {  	lr =	sadd.s32 s0, s3;
	s0 =	sld [smem:$0x3F93]  }
0x30: {  	s3 =	sld [smem:$0x3F96]  }
0x31: {  	[smem:$0x3F9F] =	sst s10  }
0x32: {  	s10 =	sld [smem:$0x3F9D];
	_ =	sdelay $0x3  }
0x33: {  	p0 =	seq.s32 s10, $0x1;
	s10 =	sld [smem:$0x3F9F];
	_ =	sdelay $0x3  }
0x34: {  	[smem:$0x3F9F] =	sst s10  }
0x35: {  	s10 =	sld [smem:$0x3F9E];
	_ =	sdelay $0x3  }
0x36: {  	p1 =	seq.s32 s10, $0x1;
	s10 =	sld [smem:$0x3F9F];
	_ =	sdelay $0x3  }
0x37: {  	[smem:$0x3F9F] =	sst s10  }
0x38: {  	s10 =	sld [smem:$0x3FA0]  }
0x39: {  	_ = 	snop;
	(pc) =	sbr.ind lr, $3  }
0x3a: {  	_ = 	snop  }
0x3b: {  	_ = 	snop  }
0x3c: {  	p2 =	seq.s32 s10, $0x1;
	s10 =	sld [smem:$0x3F9F]  }
0x3d: {  	_ =	shalt  }
0x3e: {  	_ =	shalt  }
0x3f: {  	_ =	shalt  }
0x40: {  	_ =	shalt  }
0x41: {  	_ =	shalt  }
0x42: {  	_ =	shalt  }
0x43: {  	_ =	shalt  }
0x44: {  	_ =	shalt  }
0x45: {  	_ =	shalt  }
0x46: {  	_ =	shalt  }
0x47: {  	_ =	shalt  }
0x48: {  	_ =	shalt  }
0x49: {  	_ =	shalt  }
0x4a: {  	_ =	shalt  }
0x4b: {  	_ =	shalt  }
0x4c: {  	_ =	shalt  }
0x4d: {  	_ =	shalt  }
0x4e: {  	_ =	shalt  }
0x4f: {  	_ =	shalt  }
0x50: {  	_ =	shalt  }
0x51: {  	_ =	shalt  }
0x52: {  	_ =	shalt  }
0x53: {  	_ =	shalt  }
0x54: {  	_ =	shalt  }
0x55: {  	_ =	shalt  }
0x56: {  	_ =	shalt  }
0x57: {  	_ =	shalt  }
0x58: {  	_ =	shalt  }
0x59: {  	_ =	shalt  }
0x5a: {  	_ =	shalt  }
0x5b: {  	_ =	shalt  }
0x5c: {  	_ =	shalt  }
0x5d: {  	_ =	shalt  }
0x5e: {  	_ =	shalt  }
0x5f: {  	_ =	shalt  }
0x60: {  	_ =	shalt  }
0x61: {  	_ =	shalt  }
0x62: {  	_ =	shalt  }
0x63: {  	_ =	shalt  }
0x64: {  	_ =	shalt  }
0x65: {  	_ =	shalt  }
0x66: {  	_ =	shalt  }
0x67: {  	_ =	shalt  }
0x68: {  	_ =	shalt  }
0x69: {  	_ =	shalt  }
0x6a: {  	_ =	shalt  }
0x6b: {  	_ =	shalt  }
0x6c: {  	_ =	shalt  }
0x6d: {  	_ =	shalt  }
0x6e: {  	_ =	shalt  }
0x6f: {  	_ =	shalt  }
0x70: {  	_ =	shalt  }
0x71: {  	_ =	shalt  }
0x72: {  	_ =	shalt  }
0x73: {  	_ =	shalt  }
0x74: {  	_ =	shalt  }
0x75: {  	_ =	shalt  }
0x76: {  	_ =	shalt  }
0x77: {  	_ =	shalt  }
0x78: {  	_ =	shalt  }
0x79: {  	_ =	shalt  }
0x7a: {  	_ =	shalt  }
0x7b: {  	_ =	shalt  }
0x7c: {  	_ =	shalt  }
0x7d: {  	_ =	shalt  }
0x7e: {  	_ =	shalt  }
0x7f: {  	_ =	shalt  }
0x80: {  	_ =	shalt  }
0x81: {  	_ =	shalt  }
0x82: {  	_ =	shalt  }
0x83: {  	_ =	shalt  }
0x84: {  	_ =	shalt  }
0x85: {  	_ =	shalt  }
0x86: {  	_ =	shalt  }
0x87: {  	_ =	shalt  }
.Lfunc_end0:
.L_simem_size_0:
called_computation_lowered:
.L_overlay_start_0:
0x88: {  	s2 =	sld [smem:$0x3FD9]  }
0x89: {  	s3 =	sld [smem:$0x3FFE];
	_ =	sdelay $0x1  }
0x8a: {  	s1 =	srdreg.scid  }
0x8b: {  	s0 =	sand.u32 $0x1, s1  }
0x8c: {  	s16 =	sshll.u32 s0, $0xA;
	s2 =	sadd.s32 s3, s2  }
0x8d: {  	s2 =	sadd.s32 s2, s16  }
0x8e: {  	[smem:$0x3FAB] =	sst s2  }
0x8f: {  	_ = 	snop  }
0x90: {  	(tm) =	ssettm $0x1  }
0x91: {  	s17 =	sld [smem:$0x3FFB];
	_ =	sdelay $0x3  }
0x92: {  	_ =	strace s17  }
0x93: {  	s2 =	sld [smem:$0x3FFC];
	_ =	sdelay $0x3  }
0x94: {  	_ =	strace s2  }
0x95: {  	s2 =	sld [smem:$0x3FFD];
	_ =	sdelay $0x3  }
0x96: {  	_ =	strace s2  }
0x97: {  	_ =	strace $0x8FFFFFFF  }
0x98: {  	s18 =	sld [smem:$0x3FDB];
	_ =	sdelay $0x1  }
0x99: {  	s19 =	simm.s32 $_scs_section_size  }
0x9a: {  	s4 =	simm.s32 $_size__tile_overlayer_lowered;
	s5 =	simm.s32 $_tile_overlayer_lowered  }
0x9b: {  	s22 =	simm.s32 $0x1BFF;
	s21 =	sshll.u32 s5, $0x1;
	s2 =	sadd.s32 s19, s18  }
0x9c: {  	s6 =	simm.s32 $0x0;
	s20 =	sshll.u32 s4, $0x1;
	s4 =	sadd.s32 s21, s2  }
0x9d: {  	[timem:s6], [sflag:s22] =	dma.local [hbm:s4], s20  }
0x9e: {  	_ =	swait.ge [sflag:s22], s20  }
0x9f: {  	s3 =	ssub.s32 $0x0, s20;
	[sflag:s22] =	ssyncset.done $0x0  }
0xa0: {  	[sflag:s22] =	ssyncadd.s32 s3;
	_ =	sdelay $0x1  }
0xa1: {  	s23 =	simm.s32 $0x1B8B  }
0xa2: {  	_ =	swait.ge [sflag:s23], $0x1  }
0xa3: {  	[sflag:s23] =	ssyncset.done $0x0  }
0xa4: {  	s25 =	simm.s32 $0x1B8E;
	s24 =	sld [smem:$0x3FFE];
	[sflag:s23] =	ssyncadd.s32 $0xFFFFFFFF  }
0xa5: {  	s26 =	simm.s32 $execute0_lowered;
	[smem:$0x3FD2] =	sst s25  }
0xa6: {  	s4 =	sshll.u32 s26, $0x1;
	_ =	strace $0x80000046;
	[dreg:$0x1] =	wrdreg $0xFFFFFFFF  }
0xa7: {  	s28 =	simm.s32 $_size_execute0_lowered;
	s2 =	sadd.s32 s2, s4;
	[dreg:$0x0] =	wrdreg $0x0  }
0xa8: {  	s4 =	sshll.u32 s28, $0x1;
	[dreg:$0x2] =	wrdreg s2  }
0xa9: {  	[dreg:$0x3] =	wrdreg s4  }
0xaa: {  	[dreg:$0x4] =	wrdreg $0xC0  }
0xab: {  	_ =	task [dreg:s6], $0x5FFFF  }
0xac: {  	[dreg:$0x1] =	wrdreg $0xFFFFFFFF  }
0xad: {  	[dreg:$0x0] =	wrdreg $0x60  }
0xae: {  	[dreg:$0x2] =	wrdreg s24  }
0xaf: {  	[dreg:$0x3] =	wrdreg $0x53000  }
0xb0: {  	[dreg:$0x4] =	wrdreg $0x9  }
0xb1: {  	_ =	task.clear_ibuf [dreg:s6], $0x5FFFF;
	_ =	strace $0x90000046  }
0xb2: {  	s29 =	simm.s32 $0x9;
	_ =	strace $0x80000048  }
0xb3: {  	_ =	swait.ge [sflag:s29], $0x1  }
0xb4: {  	[sflag:s29] =	ssyncadd.s32 $0xFFFFFFFF  }
0xb5: {  	_ =	strace $0x90000048  }
0xb6: {  	_ =	sfence  }
0xb7: {  	s30 =	sld [smem:$0x0];
	_ =	sdelay $0x2  }
0xb8: {  	s31 =	sshll.u32 s1, $0xD;
	s1 =	sshrl.u32 s1, $0x2  }
0xb9: {  	s3 =	sand.u32 $0x4000, s31;
	s1 =	sadd.s32 s1, s30  }
0xba: {  	s0 =	sor.u32 s3, s0;
	s1 =	sshll.u32 s1, $0x11  }
0xbb: {  	s0 =	sor.u32 s1, s0  }
0xbc: {  	s0 =	sadd.s32 $0x8F2B, s0  }
0xbd: {  	[sflag:s0] =	ssyncadd.remote.s32 $0x1  }
0xbe: {  	_ =	sfence.sel $0xFFFF  }
0xbf: {  	[dreg:$0x0] =	wrdreg $0xFFFFFFFF;
	(pc) =	sbr.abs _section_cstart, $3  }
0xc0: {  	[dreg:$0x1] =	wrdreg $0xFFFFFFFF  }
0xc1: {  	_ =	task.clear_ibuf [dreg:s6], $0x2FFFF;
	_ =	strace $0x9FFFFFFF  }
0xc2: {  	(tm) =	ssettm $0x7FFFFFFF  }
0xc3: {  	_ =	shalt  }
tec
execute0_lowered:
.L_overlay_start_1:
0x0: {  	(tag) =	ssettag $0x1  }
0x1: {  	s1 =	srdreg.scid  }
0x2: {  	s0 =	stileid.u32;
	s4 =	rddreg [dreg:$0x0]  }
0x3: {  	s2 =	rddreg [dreg:$0x1];
	s3 =	simm.s32 $0x0;
	s10 =	simm.s32 $0x80  }
0x4: {  	s11 =	simm.s32 $0x5000;
	s14 =	simm.s32 $0x20;
	s15 =	simm.s32 $0x10  }
0x5: {  	s5 =	sand.u32 $0x1, s1;
	s6 =	smul.u32 $0xA00, s0;
	s1 =	rddreg [dreg:$0x2]  }
0x6: {  	s16 =	simm.s32 $0x0;
	s8 =	smul.u32 $0x500, s0;
	[smem:$0x7FF] =	sst s3  }
0x7: {  	s12 =	sshll.u32 s0, $0x6;
	s7 =	smul.u32 $0xA000, s5;
	s9 =	sshll.u32 s5, $0x7  }
0x8: {  	_ =	strace $0x80000047;
	s5 =	ssub.s32 $0x2, s5;
	s12 =	sor.u32 $0x1C01, s12  }
0x9: {  	s8 =	sor.u32 s9, s8;
	s30 =	sshrl.u32 s5, $0x1;
	s9 =	simm.s32 $0x1  }
0xa: {  	s7 =	sadd.s32 s6, s7;
	s8 =	sshrl.u32 s8, $0x3;
	s6 =	sshrl.u32 s6, $0x2  }
0xb: {  	s31 =	ssub.s32 s5, s30;
	s7 =	sadd.s32 s7, s4;
	s8 =	sadd.s32 s8, s4  }
0xc: {  	s4 =	sadd.s32 s6, s2;
	s5 =	sadd.s32 $0x17C00, s7;
	s6 =	sadd.s32 $0x2BC00, s8  }
0xd: {  	v0 =	vimm.f32 $1.000000000e+00;
	v1 =	vimm.f32 $0.0e+00;
	s7 =	smax.u32 s31, $0x1;
	s8 =	simm.s32 $0x5080;
	s13 =	sshrl.u32 s4, $0x3  }
.LBB2_1:
0xe: {  	[tilespmem:$0x5000] =	vst v0  }
0xf: {  	[tilespmem:$0x5010] =	vst v0  }
0x10: {  	[tilespmem:$0x5020] =	vst v0  }
0x11: {  	[tilespmem:$0x5030] =	vst v0  }
0x12: {  	[tilespmem:$0x5040] =	vst v0  }
0x13: {  	[tilespmem:$0x5050] =	vst v0  }
0x14: {  	[tilespmem:$0x5060] =	vst v0  }
0x15: {  	[tilespmem:$0x5070] =	vst v0  }
0x16: {  	[tilespmem:$0x5080] =	vst v1  }
0x17: {  	[tilespmem:$0x5090] =	vst v1  }
0x18: {  	[tilespmem:$0x50A0] =	vst v1  }
0x19: {  	[tilespmem:$0x50B0] =	vst v1  }
0x1a: {  	[tilespmem:$0x50C0] =	vst v1  }
0x1b: {  	[tilespmem:$0x50D0] =	vst v1  }
0x1c: {  	[tilespmem:$0x50E0] =	vst v1  }
0x1d: {  	[tilespmem:$0x50F0] =	vst v1  }
0x1e: {  	[tilespmem:$0x5100] =	vst v1  }
0x1f: {  	[tilespmem:$0x5110] =	vst v1  }
0x20: {  	[tilespmem:$0x5120] =	vst v1  }
0x21: {  	[tilespmem:$0x5130] =	vst v1  }
0x22: {  	[tilespmem:$0x5140] =	vst v1  }
0x23: {  	[tilespmem:$0x5150] =	vst v1  }
0x24: {  	[tilespmem:$0x5160] =	vst v1  }
0x25: {  	[tilespmem:$0x5170] =	vst v1  }
0x26: {  	[tilespmem:$0x5180] =	vst v1  }
0x27: {  	[tilespmem:$0x5190] =	vst v1  }
0x28: {  	[tilespmem:$0x51A0] =	vst v1  }
0x29: {  	[tilespmem:$0x51B0] =	vst v1  }
0x2a: {  	[tilespmem:$0x51C0] =	vst v1  }
0x2b: {  	[tilespmem:$0x51D0] =	vst v1  }
0x2c: {  	[tilespmem:$0x51E0] =	vst v1  }
0x2d: {  	[tilespmem:$0x51F0] =	vst v1  }
0x2e: {  	[tilespmem:$0x5200] =	vst v1  }
0x2f: {  	[tilespmem:$0x5210] =	vst v1  }
0x30: {  	[tilespmem:$0x5220] =	vst v1  }
0x31: {  	[tilespmem:$0x5230] =	vst v1  }
0x32: {  	[tilespmem:$0x5240] =	vst v1  }
0x33: {  	[tilespmem:$0x5250] =	vst v1  }
0x34: {  	[tilespmem:$0x5260] =	vst v1  }
0x35: {  	[tilespmem:$0x5270] =	vst v1  }
0x36: {  	[tilespmem:$0x5280] =	vst v1  }
0x37: {  	[tilespmem:$0x5290] =	vst v1  }
0x38: {  	[tilespmem:$0x52A0] =	vst v1  }
0x39: {  	[tilespmem:$0x52B0] =	vst v1  }
0x3a: {  	[tilespmem:$0x52C0] =	vst v1  }
0x3b: {  	[tilespmem:$0x52D0] =	vst v1  }
0x3c: {  	[tilespmem:$0x52E0] =	vst v1  }
0x3d: {  	[tilespmem:$0x52F0] =	vst v1  }
0x3e: {  	[spmem:s4] =	stream.linear.scatter [tilespmem:s8], [sflag:$0x1], $0x280, $0x38;
	[tilespmem:$0x5580] =	vst v63  }
0x3f: {  	_ =	swait.ge [sflag:s9], $0x280  }
0x40: {  	[sflag:s9] =	ssyncset.done $0x0  }
0x41: {  	[sflag:s9] =	ssyncadd.s32 $0xFFFFFD80  }
0x42: {  	[bflag:$0x0] =	sbarrier.arrive $0xFFFF  }
0x43: {  	[tilespmem:s3], [sflag:$0x1] =	stream.linear.gather [hbm4b:s5+s3], $0x5000, $0x38;
	[tilespmem:$0x5580] =	vst v63  }
0x44: {  	_ =	swait.ge [sflag:s9], $0x5000  }
0x45: {  	[sflag:s9] =	ssyncset.done $0x0  }
0x46: {  	s17 =	simm.s32 $0x0;
	[sflag:s9] =	ssyncadd.s32 $0xFFFFB000  }
0x47: {  	[spmem:s2] =	stream.indirect.scatter.add.f32 [tilespmem:s11], [sflag:$0x1], $0x1, s17, s10, $0xb8;
	[tilespmem:$0x5580] =	vst v63  }
0x48: {  	_ =	swait.ge [sflag:s9], $0x80  }
0x49: {  	s17 =	simm.s32 $0x200;
	[sflag:s9] =	ssyncset.done $0x0  }
.LBB2_2:
0x4a: {  	s18 =	sshra.s32 s17, $0x2;
	[sflag:s9] =	ssyncadd.s32 $0xFFFFFF80;
	p0 =	sne.s32 s17, $0x13E00  }
0x4b: {  	[spmem:s2] =	stream.indirect.scatter.add.f32 [tilespmem:s11], [sflag:$0x1], $0x1, s18, s10, $0xb8;
	[tilespmem:$0x5580] =	vst v63  }
.Ltmp0:
0x4c: {  	_ = 	snop;
	(pc) =	sbr.rel @p0 .LBB2_2-.Ltmp0, $4  }
0x4d: {  	_ = 	snop  }
0x4e: {  	s17 =	sadd.s32 $0x200, s17  }
0x4f: {  	_ =	swait.ge [sflag:s9], $0x80  }
0x50: {  	[sflag:s9] =	ssyncset.done $0x0  }
0x51: {  	s16 =	sadd.s32 $0x1, s16  }
0x52: {  	[sflag:s9] =	ssyncadd.s32 $0xFFFFFF80;
	p0 =	sne.s32 s16, s7  }
.Ltmp1:
0x53: {  	[bflag:$0x0] =	sbarrier.arrive $0xFFFF;
	(pc) =	sbr.rel @p0 .LBB2_1-.Ltmp1, $4  }
0x54: {  	[hbm:s6@s14], [sflag:s12] =	dma.strided [spmem:s13@s15], $0x50, s9, $0x10   }
0x55: {  	_ =	swait.ge [sflag:s9], $0x50  }
0x56: {  	[sflag:s9] =	ssyncset.done $0x0  }
0x57: {  	[sflag:s9] =	ssyncadd.s32 $0xFFFFFFB0  }
0x58: {  	_ =	sfence.sel $0x180000  }
0x59: {  	[bflag:$0x0] =	sbarrier.arrive $0xFFFF  }
0x5a: {  	p0 =	sne.s32 s0, $0x0;
	_ =	strace $0x90000047  }
0x5b: {  	s0 =	sadd.s32 @!p0 $0x100000, s1;
	[bflag:$0x2] =	sbarrier.arrive $0xFFFF  }
0x5c: {  	[sflag:s0] =	ssyncadd.tile.s32 @!p0 $0x1;
	_ =	shalt  }
.Lfunc_end2:
_tile_overlayer_lowered:
.L_overlay_start_2:
0x5d: {  	(tag) =	ssettag $0x2  }
0x5e: {  	s0 =	rddreg [dreg:$0x0];
	s2 =	stileid.u32  }
0x5f: {  	s1 =	rddreg [dreg:$0x1];
	p0 =	sne.s32 s2, $0x0  }
0x60: {  	s3 =	rddreg [dreg:$0x2];
	[bflag:$0x3] =	sbarrier.arrive $0xFFFF;
	s2 =	simm.s32 @!p0 $0x1C01  }
0x61: {  	[timem:s3], [sflag:s2] =	dma.local @!p0 [hbm:s0], s1  }
0x62: {  	s0 =	simm.s32 @!p0 $0x1  }
0x63: {  	_ =	swait.ge @!p0 [sflag:s0], s1  }
0x64: {  	s1 =	ssub.s32 @!p0 $0x0, s1;
	[sflag:s0] =	ssyncset.done @!p0 $0x0  }
0x65: {  	[sflag:s0] =	ssyncadd.s32 @!p0 s1  }
0x66: {  	[bflag:$0x3] =	sbarrier.arrive $0xFFFF  }
0x67: {  	_ =	shalt  }

</sc_bundles>
